<compile_context>
chip_gen: v7x
topology: tpu7x:2x2x1
jax: 0.10.2.dev20260603
libtpu: 0.0.44.dev20260713+nightly
codegen_flags: <defaults>
</compile_context>

<pallas_src>
import functools

import jax
import jax.numpy as jnp
from jax import lax
from jax.experimental import pallas as pl
from jax.experimental.pallas import tpu as pltpu
from jax.experimental.pallas import tpu_sc as plsc

TOPK = 50
TEMP = 0.1
KB = 1024
BLK = 128
QT = 128
NEG = -1e30
IBIG = 2**30


def _mm(a, b):
    return lax.dot_general(a, b, (((1,), (0,)), ((), ())),
                           preferred_element_type=jnp.float32,
                           precision=lax.Precision.HIGHEST)


def _normalize(y):
    n = jnp.sqrt(jnp.sum(y * y, axis=-1, keepdims=True))
    return y / (n + 1e-12)



def _a1_body(qt_ref, kt_ref, sim_ref, m_ref, *, K, nsub):
    i = pl.program_id(0)
    s = lax.dot_general(qt_ref[...], kt_ref[...], (((1,), (1,)), ((), ())),
                        preferred_element_type=jnp.float32)
    s = s / jnp.float32(TEMP)
    col = i * KB + lax.broadcasted_iota(jnp.int32, s.shape, 1)
    s = jnp.where(col < K, s, NEG)
    sim_ref[...] = s
    sq = s.reshape(s.shape[0], nsub, BLK)
    m_ref[...] = jnp.max(sq, axis=2)[None]


def _phase_a1(qt_bf, kt_bf, K):
    Q, D = qt_bf.shape
    K_pad = kt_bf.shape[0]
    nstep = K_pad // KB
    nsub = KB // BLK
    body = functools.partial(_a1_body, K=K, nsub=nsub)
    sim, m3 = pl.pallas_call(
        body,
        grid=(nstep,),
        in_specs=[
            pl.BlockSpec((Q, D), lambda i: (0, 0)),
            pl.BlockSpec((KB, D), lambda i: (i, 0)),
        ],
        out_specs=[
            pl.BlockSpec((Q, KB), lambda i: (0, i)),
            pl.BlockSpec((1, Q, nsub), lambda i: (i, 0, 0)),
        ],
        out_shape=[
            jax.ShapeDtypeStruct((Q, K_pad), jnp.float32),
            jax.ShapeDtypeStruct((nstep, Q, nsub), jnp.float32),
        ],
    )(qt_bf, kt_bf)
    return sim, m3



def _select_topk(src_ref, key_ref_or_none, val_ref, key_out_ref,
                 v_s, av_s, ak_s):
    v0 = src_ref[...]
    R, W = v0.shape
    if key_ref_or_none is None:
        keys_c = lax.broadcasted_iota(jnp.int32, (R, W), 1)
    else:
        keys_c = key_ref_or_none
    v_s[...] = v0
    av_s[...] = jnp.zeros((R, TOPK), jnp.float32)
    ak_s[...] = jnp.zeros((R, TOPK), jnp.int32)
    tlane = lax.broadcasted_iota(jnp.int32, (R, TOPK), 1)

    def it(t, _):
        v = v_s[...]
        mx = jnp.max(v, axis=1, keepdims=True)
        kid = jnp.min(jnp.where(v == mx, keys_c, IBIG), axis=1, keepdims=True)
        sel = tlane == t
        av_s[...] = jnp.where(sel, mx, av_s[...])
        ak_s[...] = jnp.where(sel, kid, ak_s[...])
        v_s[...] = jnp.where(keys_c == kid, NEG, v)
        return 0

    lax.fori_loop(0, TOPK, it, 0)
    val_ref[...] = av_s[...]
    key_out_ref[...] = ak_s[...]



def _a2_body(m_ref, mval_ref, bid_ref, v_s, av_s, ak_s):
    _select_topk(m_ref, None, mval_ref, bid_ref, v_s, av_s, ak_s)


def _phase_a2(M):
    Q, NB = M.shape
    _, bids = pl.pallas_call(
        _a2_body,
        out_shape=[
            jax.ShapeDtypeStruct((Q, TOPK), jnp.float32),
            jax.ShapeDtypeStruct((Q, TOPK), jnp.int32),
        ],
        scratch_shapes=[
            pltpu.VMEM((Q, NB), jnp.float32),
            pltpu.VMEM((Q, TOPK), jnp.float32),
            pltpu.VMEM((Q, TOPK), jnp.int32),
        ],
    )(M)
    return bids



def _sc_gather_rows(table, idx2d):
    n_chunks, CH = idx2d.shape
    B = n_chunks * CH
    D = table.shape[1]
    info = plsc.get_sparse_core_info()
    NC, NS = info.num_cores, info.num_subcores
    NW = NC * NS
    cpw = n_chunks // NW
    mesh = plsc.VectorSubcoreMesh(core_axis_name="c", subcore_axis_name="s")

    @functools.partial(
        pl.kernel, mesh=mesh,
        out_type=jax.ShapeDtypeStruct((B, D), jnp.float32),
        scratch_types=[
            pltpu.VMEM((CH,), jnp.int32),
            pltpu.VMEM((CH, D), jnp.float32),
            pltpu.SemaphoreType.DMA,
        ],
    )
    def k(table_hbm, idx_hbm, out_hbm, idx_v, rows_v, sem):
        wid = lax.axis_index("s") * NC + lax.axis_index("c")

        def step(c, _):
            j = wid * cpw + c
            pltpu.sync_copy(idx_hbm.at[j], idx_v)
            pltpu.async_copy(table_hbm.at[idx_v], rows_v, sem).wait()
            pltpu.sync_copy(rows_v, out_hbm.at[pl.ds(j * CH, CH)])
            return _

        lax.fori_loop(0, cpw, step, 0)

    return k(table, idx2d)



def _d_body(cand_ref, bid_ref, val_ref, col_ref, v_s, cc_s, av_s, ak_s):
    bid = bid_ref[...]
    R, W = cc_s.shape
    sub = lax.broadcasted_iota(jnp.int32, (R, TOPK, BLK), 2)
    cc_s[...] = (bid[:, :, None] * BLK + sub).reshape(R, W)
    _select_topk(cand_ref, cc_s[...], val_ref, col_ref, v_s, av_s, ak_s)


def _phase_d(cand, bids):
    Q, W = cand.shape
    return pl.pallas_call(
        _d_body,
        grid=(Q // QT,),
        in_specs=[
            pl.BlockSpec((QT, W), lambda i: (i, 0)),
            pl.BlockSpec((QT, TOPK), lambda i: (i, 0)),
        ],
        out_specs=[
            pl.BlockSpec((QT, TOPK), lambda i: (i, 0)),
            pl.BlockSpec((QT, TOPK), lambda i: (i, 0)),
        ],
        out_shape=[
            jax.ShapeDtypeStruct((Q, TOPK), jnp.float32),
            jax.ShapeDtypeStruct((Q, TOPK), jnp.int32),
        ],
        scratch_shapes=[
            pltpu.VMEM((QT, W), jnp.float32),
            pltpu.VMEM((QT, W), jnp.int32),
            pltpu.VMEM((QT, TOPK), jnp.float32),
            pltpu.VMEM((QT, TOPK), jnp.int32),
        ],
    )(cand, bids)



def _f_body(q_ref, tv_ref, n_ref, wa1q_ref, wa1n_ref, ba1_ref, wa2_ref,
            ba2_ref, wu1q_ref, wu1r_ref, bu1_ref, wu2_ref, bu2_ref, out_ref):
    q = q_ref[...]
    tv = tv_ref[...]
    n3 = n_ref[...]
    D = q.shape[1]

    mx = jnp.max(tv, axis=1, keepdims=True)
    e = jnp.exp(tv - mx)
    rw = e / jnp.sum(e, axis=1, keepdims=True)
    retrieved = jnp.sum(rw[:, :, None] * n3, axis=1)

    qa = _mm(q, wa1q_ref[...]) + ba1_ref[...]
    nflat = n3.reshape(-1, D)
    nb = _mm(nflat, wa1n_ref[...])
    h = jnp.maximum(nb.reshape(n3.shape) + qa[:, None, :], 0.0)
    scores = jnp.sum(h * wa2_ref[...][None], axis=2) + ba2_ref[0, 0]
    smx = jnp.max(scores, axis=1, keepdims=True)
    ex = jnp.exp(scores - smx)
    attn = ex / jnp.sum(ex, axis=1, keepdims=True)
    agg = jnp.sum(attn[:, :, None] * n3, axis=1)

    h2 = jnp.maximum(_mm(q, wu1q_ref[...]) + _mm(retrieved, wu1r_ref[...])
                     + bu1_ref[...], 0.0)
    out_ref[...] = _mm(h2, wu2_ref[...]) + bu2_ref[...] + agg


def _phase_f(queries, top_vals, neigh3, Wa1q, Wa1n, ba1, wa2row, ba2,
             Wu1q, Wu1r, bu1, Wu2, bu2):
    Q, D = queries.shape
    cst = lambda *shape: pl.BlockSpec(shape, lambda i: (0,) * len(shape))
    return pl.pallas_call(
        _f_body,
        grid=(Q // QT,),
        in_specs=[
            pl.BlockSpec((QT, D), lambda i: (i, 0)),
            pl.BlockSpec((QT, TOPK), lambda i: (i, 0)),
            pl.BlockSpec((QT, TOPK, D), lambda i: (i, 0, 0)),
            cst(D, D), cst(D, D), cst(1, D), cst(1, D), cst(1, 1),
            cst(D, D), cst(D, D), cst(1, D), cst(D, D), cst(1, D),
        ],
        out_specs=pl.BlockSpec((QT, D), lambda i: (i, 0)),
        out_shape=jax.ShapeDtypeStruct((Q, D), jnp.float32),
    )(queries, top_vals, neigh3, Wa1q, Wa1n, ba1, wa2row, ba2,
      Wu1q, Wu1r, bu1, Wu2, bu2)



def kernel(queries, keys, similarity_weights, W_struct, b_struct, W_sem,
           b_sem, W_stat, b_stat, W_cont, b_cont, W_a1, b_a1, W_a2, b_a2,
           W_u1, b_u1, W_u2, b_u2):
    Q, D = queries.shape
    K = keys.shape[0]

    w = jax.nn.softmax(similarity_weights)

    def _tf(e):
        we = (w[0] * (e @ W_struct + b_struct)
              + w[1] * (e @ W_sem + b_sem)
              + w[2] * (e @ W_stat + b_stat)
              + w[3] * (e @ W_cont + b_cont))
        return we / (jnp.linalg.norm(we, axis=1, keepdims=True) + 1e-12)

    qt_bf = _tf(queries).astype(jnp.bfloat16)
    K_pad = ((K + KB - 1) // KB) * KB
    kt_bf = jnp.pad(_tf(keys).astype(jnp.bfloat16), ((0, K_pad - K), (0, 0)))
    NB = K_pad // BLK

    sim, m3 = _phase_a1(qt_bf, kt_bf, K)
    M = jnp.transpose(m3, (1, 0, 2)).reshape(Q, NB)
    bids = _phase_a2(M)

    gidx = (jnp.arange(Q, dtype=jnp.int32)[:, None] * NB + bids).reshape(-1)
    CH = 80
    cand_rows = _sc_gather_rows(sim.reshape(Q * NB, BLK),
                                gidx.reshape(-1, CH))
    cand = cand_rows.reshape(Q, TOPK * BLK)

    top_vals, top_cols = _phase_d(cand, bids)

    neigh = _sc_gather_rows(keys, top_cols.reshape(-1).reshape(-1, CH))
    neigh3 = neigh.reshape(Q, TOPK, D)

    out = _phase_f(
        queries, top_vals, neigh3,
        W_a1[:D], W_a1[D:], b_a1.reshape(1, D),
        W_a2.reshape(1, D), b_a2.reshape(1, 1),
        W_u1[:D], W_u1[D:], b_u1.reshape(1, D),
        W_u2, b_u2.reshape(1, D),
    )
    return out

# --- scband reference (transcript-rebuilt; emitter-appended) ---
"""Pipeline reference for scband-qsim-net-68247030333457 (READ-ONLY COPY).

The authoritative reference and input builder live on the scoring server;
editing this copy changes nothing except your own understanding.
"""

import jax, jax.numpy as jnp
import numpy as np

Q, K, D, TOPK = 1024, 100000, 128, 50
TEMP = 0.1


def setup_inputs(seed: int = 0):
    key = jax.random.key(seed)
    ks = jax.random.split(key, 16)
    s = 1.0 / np.sqrt(D)
    s2 = 1.0 / np.sqrt(2 * D)
    return {
        "queries": jax.random.normal(ks[0], (Q, D), dtype=jnp.float32),
        "keys": jax.random.normal(ks[1], (K, D), dtype=jnp.float32),
        "similarity_weights": jnp.ones((4,), dtype=jnp.float32) / 4.0,
        "W_struct": jax.random.normal(ks[2], (D, D), dtype=jnp.float32) * s,
        "b_struct": jnp.zeros((D,), dtype=jnp.float32),
        "W_sem": jax.random.normal(ks[3], (D, D), dtype=jnp.float32) * s,
        "b_sem": jnp.zeros((D,), dtype=jnp.float32),
        "W_stat": jax.random.normal(ks[4], (D, D), dtype=jnp.float32) * s,
        "b_stat": jnp.zeros((D,), dtype=jnp.float32),
        "W_cont": jax.random.normal(ks[5], (D, D), dtype=jnp.float32) * s,
        "b_cont": jnp.zeros((D,), dtype=jnp.float32),
        "W_a1": jax.random.normal(ks[6], (2 * D, D), dtype=jnp.float32) * s2,
        "b_a1": jnp.zeros((D,), dtype=jnp.float32),
        "W_a2": jax.random.normal(ks[7], (D, 1), dtype=jnp.float32) * s,
        "b_a2": jnp.zeros((1,), dtype=jnp.float32),
        "W_u1": jax.random.normal(ks[8], (2 * D, D), dtype=jnp.float32) * s2,
        "b_u1": jnp.zeros((D,), dtype=jnp.float32),
        "W_u2": jax.random.normal(ks[9], (D, D), dtype=jnp.float32) * s,
        "b_u2": jnp.zeros((D,), dtype=jnp.float32),
    }


def reference(queries, keys, similarity_weights, W_struct, b_struct, W_sem, b_sem,
              W_stat, b_stat, W_cont, b_cont, W_a1, b_a1, W_a2, b_a2,
              W_u1, b_u1, W_u2, b_u2):
    # SimilarityComputer: weighted multi-view linear transforms + L2 normalize
    w = jax.nn.softmax(similarity_weights)

    def transform(e):
        we = (w[0] * (e @ W_struct + b_struct)
              + w[1] * (e @ W_sem + b_sem)
              + w[2] * (e @ W_stat + b_stat)
              + w[3] * (e @ W_cont + b_cont))
        return we / (jnp.linalg.norm(we, axis=1, keepdims=True) + 1e-12)

    qt = transform(queries)
    kt = transform(keys)
    # ANN (Annoy) replaced by exact cosine similarity + top-k retrieval
    sim = (qt @ kt.T) / TEMP
    top_vals, top_idx = jax.lax.top_k(sim, TOPK)
    neigh = jnp.take(keys, top_idx, axis=0)  # [Q, TOPK, D] gather (memory-bound)
    # QueryMemoryBank-style softmax retrieval over top-k similarities
    retr_w = jax.nn.softmax(top_vals, axis=1)
    retrieved = jnp.sum(retr_w[..., None] * neigh, axis=1)
    # AdaptiveQuerySelector attention_net over (target, neighbor) pairs
    q_exp = jnp.broadcast_to(queries[:, None, :], (queries.shape[0], TOPK, queries.shape[1]))
    pair = jnp.concatenate([q_exp, neigh], axis=-1)
    h = jax.nn.relu(pair @ W_a1 + b_a1)
    scores = (h @ W_a2 + b_a2)[..., 0]
    attn = jax.nn.softmax(scores, axis=1)
    agg = jnp.sum(attn[..., None] * neigh, axis=1)
    # QueryMemoryBank update_net
    combined = jnp.concatenate([queries, retrieved], axis=-1)
    h2 = jax.nn.relu(combined @ W_u1 + b_u1)
    updated = h2 @ W_u2 + b_u2
    return updated + agg

if __name__ == "__main__":
    import jax
    _d = setup_inputs()
    print(jax.jit(kernel)(*tuple(_d.values())))

</pallas_src>

<mosaic_0001>
#map = affine_map<(d0, d1) -> (0, 0)>
module attributes {stable_mosaic.version = 14 : i64} {
  func.func @k(%arg0: i32, %arg1: i32, %arg2: memref<802816x128xf32, #tpu.memory_space<hbm>>, %arg3: memref<640x80xi32, #tpu.memory_space<hbm>>, %arg4: memref<51200x128xf32, #tpu.memory_space<hbm>>, %arg5: memref<80xi32, #tpu.memory_space<vmem>>, %arg6: memref<80x128xf32, #tpu.memory_space<vmem>>, %arg7: memref<!tpu.dma_semaphore, #tpu.memory_space<semaphore_mem>>) attributes {dimension_semantics = [#tpu.dimension_semantics<core_parallel>, #tpu.dimension_semantics<subcore_parallel>], iteration_bounds = array<i64: 2, 16>, scalar_prefetch = 0 : i64, scratch_operands = 3 : i64, tpu.core_type = #tpu.core_type<sc_vector_subcore>, window_params = [{transform_indices = #map}, {transform_indices = #map}, {transform_indices = #map}]} {
    %mul3A = arith.constant 2 : i32
    %mul3A_0 = arith.muli %arg1, %mul3A : i32
    %add3A = arith.addi %mul3A_0, %arg0 : i32
    %scan3A = arith.constant 0 : i32
    %scan3A_1 = arith.constant 0 : i32
    %scan3A_2 = arith.constant 20 : i32
    %scan3A_3 = arith.addi %scan3A_1, %scan3A_2 : i32
    %scan3A_4 = arith.constant 1 : i32
    scf.for %scan3A_6 = %scan3A_1 to %scan3A_3 step %scan3A_4  : i32 {
      %mul3A_7 = arith.constant 20 : i32
      %mul3A_8 = arith.muli %add3A, %mul3A_7 : i32
      %add3A_9 = arith.addi %mul3A_8, %scan3A_6 : i32
      "tpu.region"() ({
        %run_scoped3A = tpu.sem_alloc : memref<!tpu.dma_semaphore, #tpu.memory_space<semaphore_mem>>
        %dma_start3A_16 = arith.constant 0 : i32
        %dma_start3A_17 = tpu.memref_slice %arg3[%add3A_9, %dma_start3A_16] : memref<640x80xi32, #tpu.memory_space<hbm>> -> memref<1x80xi32, #tpu.memory_space<hbm>>
        %dma_start3A_18 = tpu.memref_squeeze %dma_start3A_17 : memref<1x80xi32, #tpu.memory_space<hbm>> -> memref<80xi32, #tpu.memory_space<hbm>>
        %dma_start3A_19 = arith.constant 0 : i32
        %dma_start3A_20 = tpu.memref_slice %arg3[%add3A_9, %dma_start3A_19] : memref<640x80xi32, #tpu.memory_space<hbm>> -> memref<1x80xi32, #tpu.memory_space<hbm>>
        %dma_start3A_21 = tpu.memref_squeeze %dma_start3A_20 : memref<1x80xi32, #tpu.memory_space<hbm>> -> memref<80xi32, #tpu.memory_space<hbm>>
        tpu.enqueue_dma source(%dma_start3A_21 : memref<80xi32, #tpu.memory_space<hbm>>) target(%arg5 : memref<80xi32, #tpu.memory_space<vmem>>) target_semaphore(%run_scoped3A : memref<!tpu.dma_semaphore, #tpu.memory_space<semaphore_mem>>)
        %dma_wait3A_22 = arith.constant 0 : i32
        %dma_wait3A_23 = tpu.memref_slice %arg3[%add3A_9, %dma_wait3A_22] : memref<640x80xi32, #tpu.memory_space<hbm>> -> memref<1x80xi32, #tpu.memory_space<hbm>>
        %dma_wait3A_24 = tpu.memref_squeeze %dma_wait3A_23 : memref<1x80xi32, #tpu.memory_space<hbm>> -> memref<80xi32, #tpu.memory_space<hbm>>
        %dma_wait3A_25 = arith.constant 0 : i32
        %dma_wait3A_26 = tpu.memref_slice %arg3[%add3A_9, %dma_wait3A_25] : memref<640x80xi32, #tpu.memory_space<hbm>> -> memref<1x80xi32, #tpu.memory_space<hbm>>
        %dma_wait3A_27 = tpu.memref_squeeze %dma_wait3A_26 : memref<1x80xi32, #tpu.memory_space<hbm>> -> memref<80xi32, #tpu.memory_space<hbm>>
        tpu.wait_dma2 semaphore(%run_scoped3A : memref<!tpu.dma_semaphore, #tpu.memory_space<semaphore_mem>>) src(%dma_wait3A_27 : memref<80xi32, #tpu.memory_space<hbm>>) dst(%arg5 : memref<80xi32, #tpu.memory_space<vmem>>)
        tpu.yield
      }) : () -> ()
      %dma_start3A = arith.constant 0 : i32
      %dma_start3A_10 = arith.constant 0 : i32
      %dma_start3A_11 = tpu.memref_slice %arg2[%dma_start3A, %dma_start3A_10] : memref<802816x128xf32, #tpu.memory_space<hbm>> -> memref<802816x128xf32, #tpu.memory_space<hbm>>
      tpu.enqueue_indirect_dma source(%dma_start3A_11 : memref<802816x128xf32, #tpu.memory_space<hbm>>) target(%arg6 : memref<80x128xf32, #tpu.memory_space<vmem>>) offsets(%arg5 : memref<80xi32, #tpu.memory_space<vmem>>) semaphore(%arg7 : memref<!tpu.dma_semaphore, #tpu.memory_space<semaphore_mem>>)
      %dma_wait3A = arith.constant 0 : i32
      %dma_wait3A_12 = arith.constant 0 : i32
      %dma_wait3A_13 = tpu.memref_slice %arg2[%dma_wait3A, %dma_wait3A_12] : memref<802816x128xf32, #tpu.memory_space<hbm>> -> memref<802816x128xf32, #tpu.memory_space<hbm>>
      tpu.wait_indirect_dma semaphore(%arg7 : memref<!tpu.dma_semaphore, #tpu.memory_space<semaphore_mem>>) src(%dma_wait3A_13 : memref<802816x128xf32, #tpu.memory_space<hbm>>) dst(%arg6 : memref<80x128xf32, #tpu.memory_space<vmem>>)
      %mul3A_14 = arith.constant 80 : i32
      %mul3A_15 = arith.muli %add3A_9, %mul3A_14 : i32
      "tpu.region"() ({
        %run_scoped3A = tpu.sem_alloc : memref<!tpu.dma_semaphore, #tpu.memory_space<semaphore_mem>>
        %dma_start3A_16 = arith.constant 0 : i32
        %dma_start3A_17 = tpu.memref_slice %arg4[%mul3A_15, %dma_start3A_16] : memref<51200x128xf32, #tpu.memory_space<hbm>> -> memref<80x128xf32, #tpu.memory_space<hbm>>
        %dma_start3A_18 = arith.constant 0 : i32
        %dma_start3A_19 = tpu.memref_slice %arg4[%mul3A_15, %dma_start3A_18] : memref<51200x128xf32, #tpu.memory_space<hbm>> -> memref<80x128xf32, #tpu.memory_space<hbm>>
        tpu.enqueue_dma source(%arg6 : memref<80x128xf32, #tpu.memory_space<vmem>>) target(%dma_start3A_19 : memref<80x128xf32, #tpu.memory_space<hbm>>) target_semaphore(%run_scoped3A : memref<!tpu.dma_semaphore, #tpu.memory_space<semaphore_mem>>)
        %dma_wait3A_20 = arith.constant 0 : i32
        %dma_wait3A_21 = tpu.memref_slice %arg4[%mul3A_15, %dma_wait3A_20] : memref<51200x128xf32, #tpu.memory_space<hbm>> -> memref<80x128xf32, #tpu.memory_space<hbm>>
        %dma_wait3A_22 = arith.constant 0 : i32
        %dma_wait3A_23 = tpu.memref_slice %arg4[%mul3A_15, %dma_wait3A_22] : memref<51200x128xf32, #tpu.memory_space<hbm>> -> memref<80x128xf32, #tpu.memory_space<hbm>>
        tpu.wait_dma2 semaphore(%run_scoped3A : memref<!tpu.dma_semaphore, #tpu.memory_space<semaphore_mem>>) src(%arg6 : memref<80x128xf32, #tpu.memory_space<vmem>>) dst(%dma_wait3A_23 : memref<80x128xf32, #tpu.memory_space<hbm>>)
        tpu.yield
      }) : () -> ()
    }
    %scan3A_5 = arith.constant 20 : i32
    return
  }
}

#map = affine_map<(d0, d1) -> (0, 0)>
module attributes {stable_mosaic.version = 14 : i64} {
  func.func @k(%arg0: i32, %arg1: i32, %arg2: memref<100000x128xf32, #tpu.memory_space<hbm>>, %arg3: memref<640x80xi32, #tpu.memory_space<hbm>>, %arg4: memref<51200x128xf32, #tpu.memory_space<hbm>>, %arg5: memref<80xi32, #tpu.memory_space<vmem>>, %arg6: memref<80x128xf32, #tpu.memory_space<vmem>>, %arg7: memref<!tpu.dma_semaphore, #tpu.memory_space<semaphore_mem>>) attributes {dimension_semantics = [#tpu.dimension_semantics<core_parallel>, #tpu.dimension_semantics<subcore_parallel>], iteration_bounds = array<i64: 2, 16>, scalar_prefetch = 0 : i64, scratch_operands = 3 : i64, tpu.core_type = #tpu.core_type<sc_vector_subcore>, window_params = [{transform_indices = #map}, {transform_indices = #map}, {transform_indices = #map}]} {
    %mul3A = arith.constant 2 : i32
    %mul3A_0 = arith.muli %arg1, %mul3A : i32
    %add3A = arith.addi %mul3A_0, %arg0 : i32
    %scan3A = arith.constant 0 : i32
    %scan3A_1 = arith.constant 0 : i32
    %scan3A_2 = arith.constant 20 : i32
    %scan3A_3 = arith.addi %scan3A_1, %scan3A_2 : i32
    %scan3A_4 = arith.constant 1 : i32
    scf.for %scan3A_6 = %scan3A_1 to %scan3A_3 step %scan3A_4  : i32 {
      %mul3A_7 = arith.constant 20 : i32
      %mul3A_8 = arith.muli %add3A, %mul3A_7 : i32
      %add3A_9 = arith.addi %mul3A_8, %scan3A_6 : i32
      "tpu.region"() ({
        %run_scoped3A = tpu.sem_alloc : memref<!tpu.dma_semaphore, #tpu.memory_space<semaphore_mem>>
        %dma_start3A_16 = arith.constant 0 : i32
        %dma_start3A_17 = tpu.memref_slice %arg3[%add3A_9, %dma_start3A_16] : memref<640x80xi32, #tpu.memory_space<hbm>> -> memref<1x80xi32, #tpu.memory_space<hbm>>
        %dma_start3A_18 = tpu.memref_squeeze %dma_start3A_17 : memref<1x80xi32, #tpu.memory_space<hbm>> -> memref<80xi32, #tpu.memory_space<hbm>>
        %dma_start3A_19 = arith.constant 0 : i32
        %dma_start3A_20 = tpu.memref_slice %arg3[%add3A_9, %dma_start3A_19] : memref<640x80xi32, #tpu.memory_space<hbm>> -> memref<1x80xi32, #tpu.memory_space<hbm>>
        %dma_start3A_21 = tpu.memref_squeeze %dma_start3A_20 : memref<1x80xi32, #tpu.memory_space<hbm>> -> memref<80xi32, #tpu.memory_space<hbm>>
        tpu.enqueue_dma source(%dma_start3A_21 : memref<80xi32, #tpu.memory_space<hbm>>) target(%arg5 : memref<80xi32, #tpu.memory_space<vmem>>) target_semaphore(%run_scoped3A : memref<!tpu.dma_semaphore, #tpu.memory_space<semaphore_mem>>)
        %dma_wait3A_22 = arith.constant 0 : i32
        %dma_wait3A_23 = tpu.memref_slice %arg3[%add3A_9, %dma_wait3A_22] : memref<640x80xi32, #tpu.memory_space<hbm>> -> memref<1x80xi32, #tpu.memory_space<hbm>>
        %dma_wait3A_24 = tpu.memref_squeeze %dma_wait3A_23 : memref<1x80xi32, #tpu.memory_space<hbm>> -> memref<80xi32, #tpu.memory_space<hbm>>
        %dma_wait3A_25 = arith.constant 0 : i32
        %dma_wait3A_26 = tpu.memref_slice %arg3[%add3A_9, %dma_wait3A_25] : memref<640x80xi32, #tpu.memory_space<hbm>> -> memref<1x80xi32, #tpu.memory_space<hbm>>
        %dma_wait3A_27 = tpu.memref_squeeze %dma_wait3A_26 : memref<1x80xi32, #tpu.memory_space<hbm>> -> memref<80xi32, #tpu.memory_space<hbm>>
        tpu.wait_dma2 semaphore(%run_scoped3A : memref<!tpu.dma_semaphore, #tpu.memory_space<semaphore_mem>>) src(%dma_wait3A_27 : memref<80xi32, #tpu.memory_space<hbm>>) dst(%arg5 : memref<80xi32, #tpu.memory_space<vmem>>)
        tpu.yield
      }) : () -> ()
      %dma_start3A = arith.constant 0 : i32
      %dma_start3A_10 = arith.constant 0 : i32
      %dma_start3A_11 = tpu.memref_slice %arg2[%dma_start3A, %dma_start3A_10] : memref<100000x128xf32, #tpu.memory_space<hbm>> -> memref<100000x128xf32, #tpu.memory_space<hbm>>
      tpu.enqueue_indirect_dma source(%dma_start3A_11 : memref<100000x128xf32, #tpu.memory_space<hbm>>) target(%arg6 : memref<80x128xf32, #tpu.memory_space<vmem>>) offsets(%arg5 : memref<80xi32, #tpu.memory_space<vmem>>) semaphore(%arg7 : memref<!tpu.dma_semaphore, #tpu.memory_space<semaphore_mem>>)
      %dma_wait3A = arith.constant 0 : i32
      %dma_wait3A_12 = arith.constant 0 : i32
      %dma_wait3A_13 = tpu.memref_slice %arg2[%dma_wait3A, %dma_wait3A_12] : memref<100000x128xf32, #tpu.memory_space<hbm>> -> memref<100000x128xf32, #tpu.memory_space<hbm>>
      tpu.wait_indirect_dma semaphore(%arg7 : memref<!tpu.dma_semaphore, #tpu.memory_space<semaphore_mem>>) src(%dma_wait3A_13 : memref<100000x128xf32, #tpu.memory_space<hbm>>) dst(%arg6 : memref<80x128xf32, #tpu.memory_space<vmem>>)
      %mul3A_14 = arith.constant 80 : i32
      %mul3A_15 = arith.muli %add3A_9, %mul3A_14 : i32
      "tpu.region"() ({
        %run_scoped3A = tpu.sem_alloc : memref<!tpu.dma_semaphore, #tpu.memory_space<semaphore_mem>>
        %dma_start3A_16 = arith.constant 0 : i32
        %dma_start3A_17 = tpu.memref_slice %arg4[%mul3A_15, %dma_start3A_16] : memref<51200x128xf32, #tpu.memory_space<hbm>> -> memref<80x128xf32, #tpu.memory_space<hbm>>
        %dma_start3A_18 = arith.constant 0 : i32
        %dma_start3A_19 = tpu.memref_slice %arg4[%mul3A_15, %dma_start3A_18] : memref<51200x128xf32, #tpu.memory_space<hbm>> -> memref<80x128xf32, #tpu.memory_space<hbm>>
        tpu.enqueue_dma source(%arg6 : memref<80x128xf32, #tpu.memory_space<vmem>>) target(%dma_start3A_19 : memref<80x128xf32, #tpu.memory_space<hbm>>) target_semaphore(%run_scoped3A : memref<!tpu.dma_semaphore, #tpu.memory_space<semaphore_mem>>)
        %dma_wait3A_20 = arith.constant 0 : i32
        %dma_wait3A_21 = tpu.memref_slice %arg4[%mul3A_15, %dma_wait3A_20] : memref<51200x128xf32, #tpu.memory_space<hbm>> -> memref<80x128xf32, #tpu.memory_space<hbm>>
        %dma_wait3A_22 = arith.constant 0 : i32
        %dma_wait3A_23 = tpu.memref_slice %arg4[%mul3A_15, %dma_wait3A_22] : memref<51200x128xf32, #tpu.memory_space<hbm>> -> memref<80x128xf32, #tpu.memory_space<hbm>>
        tpu.wait_dma2 semaphore(%run_scoped3A : memref<!tpu.dma_semaphore, #tpu.memory_space<semaphore_mem>>) src(%arg6 : memref<80x128xf32, #tpu.memory_space<vmem>>) dst(%dma_wait3A_23 : memref<80x128xf32, #tpu.memory_space<hbm>>)
        tpu.yield
      }) : () -> ()
    }
    %scan3A_5 = arith.constant 20 : i32
    return
  }
}

module attributes {stable_mosaic.version = 14 : i64} {
  func.func @_a1_body(%arg0: i32, %arg1: memref<1024x128xbf16, #tpu.memory_space<vmem>>, %arg2: memref<1024x128xbf16, #tpu.memory_space<vmem>>, %arg3: memref<1024x1024xf32, #tpu.memory_space<vmem>>, %arg4: memref<1x1024x8xf32, #tpu.memory_space<vmem>>) attributes {dimension_semantics = [#tpu.dimension_semantics<arbitrary>], iteration_bounds = array<i64: 98>, scalar_prefetch = 0 : i64, scratch_operands = 0 : i64, tpu.core_type = #tpu.core_type<tc>, window_params = [{pipeline_mode = #tpu.pipeline_mode<synchronous>, transform_indices = @transform_0, window_bounds = array<i64: 1024, 128>}, {transform_indices = @transform_1, window_bounds = array<i64: 1024, 128>}, {transform_indices = @transform_2, window_bounds = array<i64: 1024, 1024>}, {transform_indices = @transform_3, window_bounds = array<i64: 1, 1024, 8>}]} {
    %get3A = arith.constant 0 : index
    %get3A_0 = arith.constant 0 : index
    %get3A_1 = vector.load %arg1[%get3A, %get3A_0] : memref<1024x128xbf16, #tpu.memory_space<vmem>>, vector<1024x128xbf16>
    %get3A_2 = arith.constant 0 : index
    %get3A_3 = arith.constant 0 : index
    %get3A_4 = vector.load %arg2[%get3A_2, %get3A_3] : memref<1024x128xbf16, #tpu.memory_space<vmem>>, vector<1024x128xbf16>
    %dot_general3A = arith.constant dense<0.000000e+00> : vector<1024x1024xf32>
    %dot_general3A_5 = tpu.matmul %get3A_1, %get3A_4, %dot_general3A {dimension_numbers = #tpu.dot_dimension_numbers<[1], [1], [0], [0], [0, 0, 1, 0], [], []>, transpose_lhs_hint = false} : vector<1024x128xbf16>, vector<1024x128xbf16>, vector<1024x1024xf32> -> vector<1024x1024xf32>
    %div3A = arith.constant 1.000000e-01 : f32
    %div3A_6 = vector.broadcast %div3A : f32 to vector<1024x1024xf32>
    %div3A_7 = arith.divf %dot_general3A_5, %div3A_6 : vector<1024x1024xf32>
    %mul3A = arith.constant 1024 : i32
    %mul3A_8 = arith.muli %arg0, %mul3A : i32
    %iota3A = tpu.iota {dimensions = array<i32: 1>} : vector<1024x1024xi32>
    %add3A = vector.broadcast %mul3A_8 : i32 to vector<1024x1024xi32>
    %add3A_9 = arith.addi %add3A, %iota3A : vector<1024x1024xi32>
    %lt3A = arith.constant 100000 : i32
    %lt3A_10 = vector.broadcast %lt3A : i32 to vector<1024x1024xi32>
    %lt3A_11 = arith.cmpi slt, %add3A_9, %lt3A_10 : vector<1024x1024xi32>
    %jit3A = arith.constant -1.000000e+30 : f32
    %broadcast_in_dim3A = vector.broadcast %jit3A : f32 to vector<1024x1024xf32>
    %select_n3A = arith.select %lt3A_11, %div3A_7, %broadcast_in_dim3A : vector<1024x1024xi1>, vector<1024x1024xf32>
    %swap3A = arith.constant 0 : index
    %swap3A_12 = arith.constant 0 : index
    %swap3A_13 = vector.load %arg3[%swap3A, %swap3A_12] : memref<1024x1024xf32, #tpu.memory_space<vmem>>, vector<1024x1024xf32>
    tpu.vector_store %arg3[%swap3A, %swap3A_12], %select_n3A {strides = array<i32>} : memref<1024x1024xf32, #tpu.memory_space<vmem>>, vector<1024x1024xf32>,
    %reshape3A = vector.shape_cast %select_n3A : vector<1024x1024xf32> to vector<1024x8x128xf32>
    %reduce_max3A = arith.constant dense<0xFF800000> : vector<1024x8xf32>
    %reduce_max3A_14 = vector.multi_reduction <maximumf>, %reshape3A, %reduce_max3A [2] : vector<1024x8x128xf32> to vector<1024x8xf32>
    %broadcast_in_dim3A_15 = vector.shape_cast %reduce_max3A_14 : vector<1024x8xf32> to vector<1x1024x8xf32>
    %swap3A_16 = arith.constant 0 : index
    %swap3A_17 = arith.constant 0 : index
    %swap3A_18 = arith.constant 0 : index
    %swap3A_19 = vector.load %arg4[%swap3A_16, %swap3A_17, %swap3A_18] : memref<1x1024x8xf32, #tpu.memory_space<vmem>>, vector<1x1024x8xf32>
    tpu.vector_store %arg4[%swap3A_16, %swap3A_17, %swap3A_18], %broadcast_in_dim3A_15 {strides = array<i32>} : memref<1x1024x8xf32, #tpu.memory_space<vmem>>, vector<1x1024x8xf32>,
    return
  }
  func.func @transform_0(%arg0: i32) -> (i32, i32) {
    %c0_i32 = arith.constant 0 : i32
    %c0_i32_0 = arith.constant 0 : i32
    %c0_i32_1 = arith.constant 0 : i32
    return %c0_i32, %c0_i32_0 : i32, i32
  }
  func.func @transform_1(%arg0: i32) -> (i32, i32) {
    %c0_i32 = arith.constant 0 : i32
    %c0_i32_0 = arith.constant 0 : i32
    return %arg0, %c0_i32 : i32, i32
  }
  func.func @transform_2(%arg0: i32) -> (i32, i32) {
    %c0_i32 = arith.constant 0 : i32
    %c0_i32_0 = arith.constant 0 : i32
    return %c0_i32, %arg0 : i32, i32
  }
  func.func @transform_3(%arg0: i32) -> (i32, i32, i32) {
    %c0_i32 = arith.constant 0 : i32
    %c0_i32_0 = arith.constant 0 : i32
    %c0_i32_1 = arith.constant 0 : i32
    return %arg0, %c0_i32, %c0_i32_0 : i32, i32, i32
  }
}

module attributes {stable_mosaic.version = 14 : i64} {
  func.func @_a2_body(%arg0: memref<1024x784xf32, #tpu.memory_space<vmem>>, %arg1: memref<1024x50xf32, #tpu.memory_space<vmem>>, %arg2: memref<1024x50xi32, #tpu.memory_space<vmem>>, %arg3: memref<1024x784xf32, #tpu.memory_space<vmem>>, %arg4: memref<1024x50xf32, #tpu.memory_space<vmem>>, %arg5: memref<1024x50xi32, #tpu.memory_space<vmem>>) attributes {dimension_semantics = [], scalar_prefetch = 0 : i64, scratch_operands = 3 : i64, tpu.core_type = #tpu.core_type<tc>} {
    %get3A = arith.constant 0 : index
    %get3A_0 = arith.constant 0 : index
    %get3A_1 = vector.load %arg0[%get3A, %get3A_0] : memref<1024x784xf32, #tpu.memory_space<vmem>>, vector<1024x784xf32>
    %iota3A = tpu.iota {dimensions = array<i32: 1>} : vector<1024x784xi32>
    %swap3A = arith.constant 0 : index
    %swap3A_2 = arith.constant 0 : index
    %swap3A_3 = vector.load %arg3[%swap3A, %swap3A_2] : memref<1024x784xf32, #tpu.memory_space<vmem>>, vector<1024x784xf32>
    tpu.vector_store %arg3[%swap3A, %swap3A_2], %get3A_1 {strides = array<i32>} : memref<1024x784xf32, #tpu.memory_space<vmem>>, vector<1024x784xf32>,
    %broadcast_in_dim3A = arith.constant 0.000000e+00 : f32
    %broadcast_in_dim3A_4 = vector.broadcast %broadcast_in_dim3A : f32 to vector<1024x50xf32>
    %swap3A_5 = arith.constant 0 : index
    %swap3A_6 = arith.constant 0 : index
    %swap3A_7 = vector.load %arg4[%swap3A_5, %swap3A_6] : memref<1024x50xf32, #tpu.memory_space<vmem>>, vector<1024x50xf32>
    tpu.vector_store %arg4[%swap3A_5, %swap3A_6], %broadcast_in_dim3A_4 {strides = array<i32>} : memref<1024x50xf32, #tpu.memory_space<vmem>>, vector<1024x50xf32>,
    %broadcast_in_dim3A_8 = arith.constant 0 : i32
    %broadcast_in_dim3A_9 = vector.broadcast %broadcast_in_dim3A_8 : i32 to vector<1024x50xi32>
    %swap3A_10 = arith.constant 0 : index
    %swap3A_11 = arith.constant 0 : index
    %swap3A_12 = vector.load %arg5[%swap3A_10, %swap3A_11] : memref<1024x50xi32, #tpu.memory_space<vmem>>, vector<1024x50xi32>
    tpu.vector_store %arg5[%swap3A_10, %swap3A_11], %broadcast_in_dim3A_9 {strides = array<i32>} : memref<1024x50xi32, #tpu.memory_space<vmem>>, vector<1024x50xi32>,
    %iota3A_13 = tpu.iota {dimensions = array<i32: 1>} : vector<1024x50xi32>
    %scan3A = arith.constant 0 : i32
    %scan3A_14 = arith.constant 50 : i32
    %scan3A_15 = arith.addi %scan3A, %scan3A_14 : i32
    %scan3A_16 = arith.constant 1 : i32
    scf.for %scan3A_30 = %scan3A to %scan3A_15 step %scan3A_16  : i32 {
      %get3A_31 = arith.constant 0 : index
      %get3A_32 = arith.constant 0 : index
      %get3A_33 = vector.load %arg3[%get3A_31, %get3A_32] : memref<1024x784xf32, #tpu.memory_space<vmem>>, vector<1024x784xf32>
      %reduce_max3A = arith.constant dense<0xFF800000> : vector<1024xf32>
      %reduce_max3A_34 = vector.multi_reduction <maximumf>, %get3A_33, %reduce_max3A [1] : vector<1024x784xf32> to vector<1024xf32>
      %broadcast_in_dim3A_35 = vector.shape_cast %reduce_max3A_34 : vector<1024xf32> to vector<1024x1xf32>
      %eq3A = vector.broadcast %broadcast_in_dim3A_35 : vector<1024x1xf32> to vector<1024x784xf32>
      %eq3A_36 = arith.cmpf oeq, %get3A_33, %eq3A : vector<1024x784xf32>
      %jit3A = arith.constant 1073741824 : i32
      %broadcast_in_dim3A_37 = vector.broadcast %jit3A : i32 to vector<1024x784xi32>
      %select_n3A = arith.select %eq3A_36, %iota3A, %broadcast_in_dim3A_37 : vector<1024x784xi1>, vector<1024x784xi32>
      %reduce_min3A = arith.constant dense<2147483647> : vector<1024xi32>
      %reduce_min3A_38 = vector.multi_reduction <minsi>, %select_n3A, %reduce_min3A [1] : vector<1024x784xi32> to vector<1024xi32>
      %broadcast_in_dim3A_39 = vector.shape_cast %reduce_min3A_38 : vector<1024xi32> to vector<1024x1xi32>
      %eq3A_40 = vector.broadcast %scan3A_30 : i32 to vector<1024x50xi32>
      %eq3A_41 = arith.cmpi eq, %iota3A_13, %eq3A_40 : vector<1024x50xi32>
      %get3A_42 = arith.constant 0 : index
      %get3A_43 = arith.constant 0 : index
      %get3A_44 = vector.load %arg4[%get3A_42, %get3A_43] : memref<1024x50xf32, #tpu.memory_space<vmem>>, vector<1024x50xf32>
      %broadcast_in_dim3A_45 = vector.shape_cast %broadcast_in_dim3A_35 : vector<1024x1xf32> to vector<1024x1xf32>
      %broadcast_in_dim3A_46 = vector.broadcast %broadcast_in_dim3A_45 : vector<1024x1xf32> to vector<1024x50xf32>
      %select_n3A_47 = arith.select %eq3A_41, %broadcast_in_dim3A_46, %get3A_44 : vector<1024x50xi1>, vector<1024x50xf32>
      %swap3A_48 = arith.constant 0 : index
      %swap3A_49 = arith.constant 0 : index
      %swap3A_50 = vector.load %arg4[%swap3A_48, %swap3A_49] : memref<1024x50xf32, #tpu.memory_space<vmem>>, vector<1024x50xf32>
      tpu.vector_store %arg4[%swap3A_48, %swap3A_49], %select_n3A_47 {strides = array<i32>} : memref<1024x50xf32, #tpu.memory_space<vmem>>, vector<1024x50xf32>,
      %get3A_51 = arith.constant 0 : index
      %get3A_52 = arith.constant 0 : index
      %get3A_53 = vector.load %arg5[%get3A_51, %get3A_52] : memref<1024x50xi32, #tpu.memory_space<vmem>>, vector<1024x50xi32>
      %broadcast_in_dim3A_54 = vector.shape_cast %broadcast_in_dim3A_39 : vector<1024x1xi32> to vector<1024x1xi32>
      %broadcast_in_dim3A_55 = vector.broadcast %broadcast_in_dim3A_54 : vector<1024x1xi32> to vector<1024x50xi32>
      %select_n3A_56 = arith.select %eq3A_41, %broadcast_in_dim3A_55, %get3A_53 : vector<1024x50xi1>, vector<1024x50xi32>
      %swap3A_57 = arith.constant 0 : index
      %swap3A_58 = arith.constant 0 : index
      %swap3A_59 = vector.load %arg5[%swap3A_57, %swap3A_58] : memref<1024x50xi32, #tpu.memory_space<vmem>>, vector<1024x50xi32>
      tpu.vector_store %arg5[%swap3A_57, %swap3A_58], %select_n3A_56 {strides = array<i32>} : memref<1024x50xi32, #tpu.memory_space<vmem>>, vector<1024x50xi32>,
      %eq3A_60 = vector.broadcast %broadcast_in_dim3A_39 : vector<1024x1xi32> to vector<1024x784xi32>
      %eq3A_61 = arith.cmpi eq, %iota3A, %eq3A_60 : vector<1024x784xi32>
      %jit3A_62 = arith.constant -1.000000e+30 : f32
      %broadcast_in_dim3A_63 = vector.broadcast %jit3A_62 : f32 to vector<1024x784xf32>
      %select_n3A_64 = arith.select %eq3A_61, %broadcast_in_dim3A_63, %get3A_33 : vector<1024x784xi1>, vector<1024x784xf32>
      %swap3A_65 = arith.constant 0 : index
      %swap3A_66 = arith.constant 0 : index
      %swap3A_67 = vector.load %arg3[%swap3A_65, %swap3A_66] : memref<1024x784xf32, #tpu.memory_space<vmem>>, vector<1024x784xf32>
      tpu.vector_store %arg3[%swap3A_65, %swap3A_66], %select_n3A_64 {strides = array<i32>} : memref<1024x784xf32, #tpu.memory_space<vmem>>, vector<1024x784xf32>,
    }
    %scan3A_17 = arith.constant 50 : i32
    %get3A_18 = arith.constant 0 : index
    %get3A_19 = arith.constant 0 : index
    %get3A_20 = vector.load %arg4[%get3A_18, %get3A_19] : memref<1024x50xf32, #tpu.memory_space<vmem>>, vector<1024x50xf32>
    %swap3A_21 = arith.constant 0 : index
    %swap3A_22 = arith.constant 0 : index
    %swap3A_23 = vector.load %arg1[%swap3A_21, %swap3A_22] : memref<1024x50xf32, #tpu.memory_space<vmem>>, vector<1024x50xf32>
    tpu.vector_store %arg1[%swap3A_21, %swap3A_22], %get3A_20 {strides = array<i32>} : memref<1024x50xf32, #tpu.memory_space<vmem>>, vector<1024x50xf32>,
    %get3A_24 = arith.constant 0 : index
    %get3A_25 = arith.constant 0 : index
    %get3A_26 = vector.load %arg5[%get3A_24, %get3A_25] : memref<1024x50xi32, #tpu.memory_space<vmem>>, vector<1024x50xi32>
    %swap3A_27 = arith.constant 0 : index
    %swap3A_28 = arith.constant 0 : index
    %swap3A_29 = vector.load %arg2[%swap3A_27, %swap3A_28] : memref<1024x50xi32, #tpu.memory_space<vmem>>, vector<1024x50xi32>
    tpu.vector_store %arg2[%swap3A_27, %swap3A_28], %get3A_26 {strides = array<i32>} : memref<1024x50xi32, #tpu.memory_space<vmem>>, vector<1024x50xi32>,
    return
  }
}

module attributes {stable_mosaic.version = 14 : i64} {
  func.func @_d_body(%arg0: i32, %arg1: memref<128x6400xf32, #tpu.memory_space<vmem>>, %arg2: memref<128x50xi32, #tpu.memory_space<vmem>>, %arg3: memref<128x50xf32, #tpu.memory_space<vmem>>, %arg4: memref<128x50xi32, #tpu.memory_space<vmem>>, %arg5: memref<128x6400xf32, #tpu.memory_space<vmem>>, %arg6: memref<128x6400xi32, #tpu.memory_space<vmem>>, %arg7: memref<128x50xf32, #tpu.memory_space<vmem>>, %arg8: memref<128x50xi32, #tpu.memory_space<vmem>>) attributes {dimension_semantics = [#tpu.dimension_semantics<arbitrary>], iteration_bounds = array<i64: 8>, scalar_prefetch = 0 : i64, scratch_operands = 4 : i64, tpu.core_type = #tpu.core_type<tc>, window_params = [{transform_indices = @transform_0, window_bounds = array<i64: 128, 6400>}, {transform_indices = @transform_1, window_bounds = array<i64: 128, 50>}, {transform_indices = @transform_2, window_bounds = array<i64: 128, 50>}, {transform_indices = @transform_3, window_bounds = array<i64: 128, 50>}]} {
    %get3A = arith.constant 0 : index
    %get3A_0 = arith.constant 0 : index
    %get3A_1 = vector.load %arg2[%get3A, %get3A_0] : memref<128x50xi32, #tpu.memory_space<vmem>>, vector<128x50xi32>
    %iota3A = tpu.iota {dimensions = array<i32: 2>} : vector<128x50x128xi32>
    %broadcast_in_dim3A = vector.shape_cast %get3A_1 : vector<128x50xi32> to vector<128x50x1xi32>
    %mul3A = arith.constant 128 : i32
    %mul3A_2 = vector.broadcast %mul3A : i32 to vector<128x50x1xi32>
    %mul3A_3 = arith.muli %broadcast_in_dim3A, %mul3A_2 : vector<128x50x1xi32>
    %add3A = vector.broadcast %mul3A_3 : vector<128x50x1xi32> to vector<128x50x128xi32>
    %add3A_4 = arith.addi %add3A, %iota3A : vector<128x50x128xi32>
    %reshape3A = vector.shape_cast %add3A_4 : vector<128x50x128xi32> to vector<128x6400xi32>
    %swap3A = arith.constant 0 : index
    %swap3A_5 = arith.constant 0 : index
    %swap3A_6 = vector.load %arg6[%swap3A, %swap3A_5] : memref<128x6400xi32, #tpu.memory_space<vmem>>, vector<128x6400xi32>
    tpu.vector_store %arg6[%swap3A, %swap3A_5], %reshape3A {strides = array<i32>} : memref<128x6400xi32, #tpu.memory_space<vmem>>, vector<128x6400xi32>,
    %get3A_7 = arith.constant 0 : index
    %get3A_8 = arith.constant 0 : index
    %get3A_9 = vector.load %arg6[%get3A_7, %get3A_8] : memref<128x6400xi32, #tpu.memory_space<vmem>>, vector<128x6400xi32>
    %get3A_10 = arith.constant 0 : index
    %get3A_11 = arith.constant 0 : index
    %get3A_12 = vector.load %arg1[%get3A_10, %get3A_11] : memref<128x6400xf32, #tpu.memory_space<vmem>>, vector<128x6400xf32>
    %swap3A_13 = arith.constant 0 : index
    %swap3A_14 = arith.constant 0 : index
    %swap3A_15 = vector.load %arg5[%swap3A_13, %swap3A_14] : memref<128x6400xf32, #tpu.memory_space<vmem>>, vector<128x6400xf32>
    tpu.vector_store %arg5[%swap3A_13, %swap3A_14], %get3A_12 {strides = array<i32>} : memref<128x6400xf32, #tpu.memory_space<vmem>>, vector<128x6400xf32>,
    %broadcast_in_dim3A_16 = arith.constant 0.000000e+00 : f32
    %broadcast_in_dim3A_17 = vector.broadcast %broadcast_in_dim3A_16 : f32 to vector<128x50xf32>
    %swap3A_18 = arith.constant 0 : index
    %swap3A_19 = arith.constant 0 : index
    %swap3A_20 = vector.load %arg7[%swap3A_18, %swap3A_19] : memref<128x50xf32, #tpu.memory_space<vmem>>, vector<128x50xf32>
    tpu.vector_store %arg7[%swap3A_18, %swap3A_19], %broadcast_in_dim3A_17 {strides = array<i32>} : memref<128x50xf32, #tpu.memory_space<vmem>>, vector<128x50xf32>,
    %broadcast_in_dim3A_21 = arith.constant 0 : i32
    %broadcast_in_dim3A_22 = vector.broadcast %broadcast_in_dim3A_21 : i32 to vector<128x50xi32>
    %swap3A_23 = arith.constant 0 : index
    %swap3A_24 = arith.constant 0 : index
    %swap3A_25 = vector.load %arg8[%swap3A_23, %swap3A_24] : memref<128x50xi32, #tpu.memory_space<vmem>>, vector<128x50xi32>
    tpu.vector_store %arg8[%swap3A_23, %swap3A_24], %broadcast_in_dim3A_22 {strides = array<i32>} : memref<128x50xi32, #tpu.memory_space<vmem>>, vector<128x50xi32>,
    %iota3A_26 = tpu.iota {dimensions = array<i32: 1>} : vector<128x50xi32>
    %scan3A = arith.constant 0 : i32
    %scan3A_27 = arith.constant 50 : i32
    %scan3A_28 = arith.addi %scan3A, %scan3A_27 : i32
    %scan3A_29 = arith.constant 1 : i32
    scf.for %scan3A_43 = %scan3A to %scan3A_28 step %scan3A_29  : i32 {
      %get3A_44 = arith.constant 0 : index
      %get3A_45 = arith.constant 0 : index
      %get3A_46 = vector.load %arg5[%get3A_44, %get3A_45] : memref<128x6400xf32, #tpu.memory_space<vmem>>, vector<128x6400xf32>
      %reduce_max3A = arith.constant dense<0xFF800000> : vector<128xf32>
      %reduce_max3A_47 = vector.multi_reduction <maximumf>, %get3A_46, %reduce_max3A [1] : vector<128x6400xf32> to vector<128xf32>
      %broadcast_in_dim3A_48 = vector.shape_cast %reduce_max3A_47 : vector<128xf32> to vector<128x1xf32>
      %eq3A = vector.broadcast %broadcast_in_dim3A_48 : vector<128x1xf32> to vector<128x6400xf32>
      %eq3A_49 = arith.cmpf oeq, %get3A_46, %eq3A : vector<128x6400xf32>
      %jit3A = arith.constant 1073741824 : i32
      %broadcast_in_dim3A_50 = vector.broadcast %jit3A : i32 to vector<128x6400xi32>
      %select_n3A = arith.select %eq3A_49, %get3A_9, %broadcast_in_dim3A_50 : vector<128x6400xi1>, vector<128x6400xi32>
      %reduce_min3A = arith.constant dense<2147483647> : vector<128xi32>
      %reduce_min3A_51 = vector.multi_reduction <minsi>, %select_n3A, %reduce_min3A [1] : vector<128x6400xi32> to vector<128xi32>
      %broadcast_in_dim3A_52 = vector.shape_cast %reduce_min3A_51 : vector<128xi32> to vector<128x1xi32>
      %eq3A_53 = vector.broadcast %scan3A_43 : i32 to vector<128x50xi32>
      %eq3A_54 = arith.cmpi eq, %iota3A_26, %eq3A_53 : vector<128x50xi32>
      %get3A_55 = arith.constant 0 : index
      %get3A_56 = arith.constant 0 : index
      %get3A_57 = vector.load %arg7[%get3A_55, %get3A_56] : memref<128x50xf32, #tpu.memory_space<vmem>>, vector<128x50xf32>
      %broadcast_in_dim3A_58 = vector.shape_cast %broadcast_in_dim3A_48 : vector<128x1xf32> to vector<128x1xf32>
      %broadcast_in_dim3A_59 = vector.broadcast %broadcast_in_dim3A_58 : vector<128x1xf32> to vector<128x50xf32>
      %select_n3A_60 = arith.select %eq3A_54, %broadcast_in_dim3A_59, %get3A_57 : vector<128x50xi1>, vector<128x50xf32>
      %swap3A_61 = arith.constant 0 : index
      %swap3A_62 = arith.constant 0 : index
      %swap3A_63 = vector.load %arg7[%swap3A_61, %swap3A_62] : memref<128x50xf32, #tpu.memory_space<vmem>>, vector<128x50xf32>
      tpu.vector_store %arg7[%swap3A_61, %swap3A_62], %select_n3A_60 {strides = array<i32>} : memref<128x50xf32, #tpu.memory_space<vmem>>, vector<128x50xf32>,
      %get3A_64 = arith.constant 0 : index
      %get3A_65 = arith.constant 0 : index
      %get3A_66 = vector.load %arg8[%get3A_64, %get3A_65] : memref<128x50xi32, #tpu.memory_space<vmem>>, vector<128x50xi32>
      %broadcast_in_dim3A_67 = vector.shape_cast %broadcast_in_dim3A_52 : vector<128x1xi32> to vector<128x1xi32>
      %broadcast_in_dim3A_68 = vector.broadcast %broadcast_in_dim3A_67 : vector<128x1xi32> to vector<128x50xi32>
      %select_n3A_69 = arith.select %eq3A_54, %broadcast_in_dim3A_68, %get3A_66 : vector<128x50xi1>, vector<128x50xi32>
      %swap3A_70 = arith.constant 0 : index
      %swap3A_71 = arith.constant 0 : index
      %swap3A_72 = vector.load %arg8[%swap3A_70, %swap3A_71] : memref<128x50xi32, #tpu.memory_space<vmem>>, vector<128x50xi32>
      tpu.vector_store %arg8[%swap3A_70, %swap3A_71], %select_n3A_69 {strides = array<i32>} : memref<128x50xi32, #tpu.memory_space<vmem>>, vector<128x50xi32>,
      %eq3A_73 = vector.broadcast %broadcast_in_dim3A_52 : vector<128x1xi32> to vector<128x6400xi32>
      %eq3A_74 = arith.cmpi eq, %get3A_9, %eq3A_73 : vector<128x6400xi32>
      %jit3A_75 = arith.constant -1.000000e+30 : f32
      %broadcast_in_dim3A_76 = vector.broadcast %jit3A_75 : f32 to vector<128x6400xf32>
      %select_n3A_77 = arith.select %eq3A_74, %broadcast_in_dim3A_76, %get3A_46 : vector<128x6400xi1>, vector<128x6400xf32>
      %swap3A_78 = arith.constant 0 : index
      %swap3A_79 = arith.constant 0 : index
      %swap3A_80 = vector.load %arg5[%swap3A_78, %swap3A_79] : memref<128x6400xf32, #tpu.memory_space<vmem>>, vector<128x6400xf32>
      tpu.vector_store %arg5[%swap3A_78, %swap3A_79], %select_n3A_77 {strides = array<i32>} : memref<128x6400xf32, #tpu.memory_space<vmem>>, vector<128x6400xf32>,
    }
    %scan3A_30 = arith.constant 50 : i32
    %get3A_31 = arith.constant 0 : index
    %get3A_32 = arith.constant 0 : index
    %get3A_33 = vector.load %arg7[%get3A_31, %get3A_32] : memref<128x50xf32, #tpu.memory_space<vmem>>, vector<128x50xf32>
    %swap3A_34 = arith.constant 0 : index
    %swap3A_35 = arith.constant 0 : index
    %swap3A_36 = vector.load %arg3[%swap3A_34, %swap3A_35] : memref<128x50xf32, #tpu.memory_space<vmem>>, vector<128x50xf32>
    tpu.vector_store %arg3[%swap3A_34, %swap3A_35], %get3A_33 {strides = array<i32>} : memref<128x50xf32, #tpu.memory_space<vmem>>, vector<128x50xf32>,
    %get3A_37 = arith.constant 0 : index
    %get3A_38 = arith.constant 0 : index
    %get3A_39 = vector.load %arg8[%get3A_37, %get3A_38] : memref<128x50xi32, #tpu.memory_space<vmem>>, vector<128x50xi32>
    %swap3A_40 = arith.constant 0 : index
    %swap3A_41 = arith.constant 0 : index
    %swap3A_42 = vector.load %arg4[%swap3A_40, %swap3A_41] : memref<128x50xi32, #tpu.memory_space<vmem>>, vector<128x50xi32>
    tpu.vector_store %arg4[%swap3A_40, %swap3A_41], %get3A_39 {strides = array<i32>} : memref<128x50xi32, #tpu.memory_space<vmem>>, vector<128x50xi32>,
    return
  }
  func.func @transform_0(%arg0: i32) -> (i32, i32) {
    %c0_i32 = arith.constant 0 : i32
    %c0_i32_0 = arith.constant 0 : i32
    return %arg0, %c0_i32 : i32, i32
  }
  func.func @transform_1(%arg0: i32) -> (i32, i32) {
    %c0_i32 = arith.constant 0 : i32
    %c0_i32_0 = arith.constant 0 : i32
    return %arg0, %c0_i32 : i32, i32
  }
  func.func @transform_2(%arg0: i32) -> (i32, i32) {
    %c0_i32 = arith.constant 0 : i32
    %c0_i32_0 = arith.constant 0 : i32
    return %arg0, %c0_i32 : i32, i32
  }
  func.func @transform_3(%arg0: i32) -> (i32, i32) {
    %c0_i32 = arith.constant 0 : i32
    %c0_i32_0 = arith.constant 0 : i32
    return %arg0, %c0_i32 : i32, i32
  }
}

module attributes {stable_mosaic.version = 14 : i64} {
  func.func @_f_body(%arg0: i32, %arg1: memref<128x128xf32, #tpu.memory_space<vmem>>, %arg2: memref<128x50xf32, #tpu.memory_space<vmem>>, %arg3: memref<128x50x128xf32, #tpu.memory_space<vmem>>, %arg4: memref<128x128xf32, #tpu.memory_space<vmem>>, %arg5: memref<128x128xf32, #tpu.memory_space<vmem>>, %arg6: memref<1x128xf32, #tpu.memory_space<vmem>>, %arg7: memref<1x128xf32, #tpu.memory_space<vmem>>, %arg8: memref<1x1xf32, #tpu.memory_space<vmem>>, %arg9: memref<128x128xf32, #tpu.memory_space<vmem>>, %arg10: memref<128x128xf32, #tpu.memory_space<vmem>>, %arg11: memref<1x128xf32, #tpu.memory_space<vmem>>, %arg12: memref<128x128xf32, #tpu.memory_space<vmem>>, %arg13: memref<1x128xf32, #tpu.memory_space<vmem>>, %arg14: memref<128x128xf32, #tpu.memory_space<vmem>>) attributes {dimension_semantics = [#tpu.dimension_semantics<arbitrary>], iteration_bounds = array<i64: 8>, scalar_prefetch = 0 : i64, scratch_operands = 0 : i64, tpu.core_type = #tpu.core_type<tc>, window_params = [{transform_indices = @transform_0, window_bounds = array<i64: 128, 128>}, {transform_indices = @transform_1, window_bounds = array<i64: 128, 50>}, {transform_indices = @transform_2, window_bounds = array<i64: 128, 50, 128>}, {pipeline_mode = #tpu.pipeline_mode<synchronous>, transform_indices = @transform_3, window_bounds = array<i64: 128, 128>}, {pipeline_mode = #tpu.pipeline_mode<synchronous>, transform_indices = @transform_4, window_bounds = array<i64: 128, 128>}, {pipeline_mode = #tpu.pipeline_mode<synchronous>, transform_indices = @transform_5, window_bounds = array<i64: 1, 128>}, {pipeline_mode = #tpu.pipeline_mode<synchronous>, transform_indices = @transform_6, window_bounds = array<i64: 1, 128>}, {pipeline_mode = #tpu.pipeline_mode<synchronous>, transform_indices = @transform_7, window_bounds = array<i64: 1, 1>}, {pipeline_mode = #tpu.pipeline_mode<synchronous>, transform_indices = @transform_8, window_bounds = array<i64: 128, 128>}, {pipeline_mode = #tpu.pipeline_mode<synchronous>, transform_indices = @transform_9, window_bounds = array<i64: 128, 128>}, {pipeline_mode = #tpu.pipeline_mode<synchronous>, transform_indices = @transform_10, window_bounds = array<i64: 1, 128>}, {pipeline_mode = #tpu.pipeline_mode<synchronous>, transform_indices = @transform_11, window_bounds = array<i64: 128, 128>}, {pipeline_mode = #tpu.pipeline_mode<synchronous>, transform_indices = @transform_12, window_bounds = array<i64: 1, 128>}, {transform_indices = @transform_13, window_bounds = array<i64: 128, 128>}]} {
    %get3A = arith.constant 0 : index
    %get3A_0 = arith.constant 0 : index
    %get3A_1 = vector.load %arg1[%get3A, %get3A_0] : memref<128x128xf32, #tpu.memory_space<vmem>>, vector<128x128xf32>
    %get3A_2 = arith.constant 0 : index
    %get3A_3 = arith.constant 0 : index
    %get3A_4 = vector.load %arg2[%get3A_2, %get3A_3] : memref<128x50xf32, #tpu.memory_space<vmem>>, vector<128x50xf32>
    %get3A_5 = arith.constant 0 : index
    %get3A_6 = arith.constant 0 : index
    %get3A_7 = arith.constant 0 : index
    %get3A_8 = vector.load %arg3[%get3A_5, %get3A_6, %get3A_7] : memref<128x50x128xf32, #tpu.memory_space<vmem>>, vector<128x50x128xf32>
    %reduce_max3A = arith.constant dense<0xFF800000> : vector<128xf32>
    %reduce_max3A_9 = vector.multi_reduction <maximumf>, %get3A_4, %reduce_max3A [1] : vector<128x50xf32> to vector<128xf32>
    %broadcast_in_dim3A = vector.shape_cast %reduce_max3A_9 : vector<128xf32> to vector<128x1xf32>
    %sub3A = vector.broadcast %broadcast_in_dim3A : vector<128x1xf32> to vector<128x50xf32>
    %sub3A_10 = arith.subf %get3A_4, %sub3A : vector<128x50xf32>
    %exp3A = math.exp %sub3A_10 : vector<128x50xf32>
    %reduce_sum3A = arith.constant dense<0.000000e+00> : vector<128xf32>
    %reduce_sum3A_11 = vector.multi_reduction <add>, %exp3A, %reduce_sum3A [1] : vector<128x50xf32> to vector<128xf32>
    %broadcast_in_dim3A_12 = vector.shape_cast %reduce_sum3A_11 : vector<128xf32> to vector<128x1xf32>
    %div3A = vector.broadcast %broadcast_in_dim3A_12 : vector<128x1xf32> to vector<128x50xf32>
    %div3A_13 = arith.divf %exp3A, %div3A : vector<128x50xf32>
    %broadcast_in_dim3A_14 = vector.shape_cast %div3A_13 : vector<128x50xf32> to vector<128x50x1xf32>
    %mul3A = vector.broadcast %broadcast_in_dim3A_14 : vector<128x50x1xf32> to vector<128x50x128xf32>
    %mul3A_15 = arith.mulf %mul3A, %get3A_8 : vector<128x50x128xf32>
    %reduce_sum3A_16 = arith.constant dense<0.000000e+00> : vector<128x128xf32>
    %reduce_sum3A_17 = vector.multi_reduction <add>, %mul3A_15, %reduce_sum3A_16 [1] : vector<128x50x128xf32> to vector<128x128xf32>
    %get3A_18 = arith.constant 0 : index
    %get3A_19 = arith.constant 0 : index
    %get3A_20 = vector.load %arg4[%get3A_18, %get3A_19] : memref<128x128xf32, #tpu.memory_space<vmem>>, vector<128x128xf32>
    %dot_general3A = arith.constant dense<0.000000e+00> : vector<128x128xf32>
    %dot_general3A_21 = tpu.matmul %get3A_1, %get3A_20, %dot_general3A {dimension_numbers = #tpu.dot_dimension_numbers<[1], [0], [0], [1], [0, 0, 1, 1], [], []>, precision = #tpu.contract_precision<fp32>, transpose_lhs_hint = false} : vector<128x128xf32>, vector<128x128xf32>, vector<128x128xf32> -> vector<128x128xf32>
    %get3A_22 = arith.constant 0 : index
    %get3A_23 = arith.constant 0 : index
    %get3A_24 = vector.load %arg6[%get3A_22, %get3A_23] : memref<1x128xf32, #tpu.memory_space<vmem>>, vector<1x128xf32>
    %add3A = vector.broadcast %get3A_24 : vector<1x128xf32> to vector<128x128xf32>
    %add3A_25 = arith.addf %dot_general3A_21, %add3A : vector<128x128xf32>
    %reshape3A = vector.shape_cast %get3A_8 : vector<128x50x128xf32> to vector<6400x128xf32>
    %get3A_26 = arith.constant 0 : index
    %get3A_27 = arith.constant 0 : index
    %get3A_28 = vector.load %arg5[%get3A_26, %get3A_27] : memref<128x128xf32, #tpu.memory_space<vmem>>, vector<128x128xf32>
    %dot_general3A_29 = arith.constant dense<0.000000e+00> : vector<6400x128xf32>
    %dot_general3A_30 = tpu.matmul %reshape3A, %get3A_28, %dot_general3A_29 {dimension_numbers = #tpu.dot_dimension_numbers<[1], [0], [0], [1], [0, 0, 1, 1], [], []>, precision = #tpu.contract_precision<fp32>, transpose_lhs_hint = false} : vector<6400x128xf32>, vector<128x128xf32>, vector<6400x128xf32> -> vector<6400x128xf32>
    %reshape3A_31 = vector.shape_cast %dot_general3A_30 : vector<6400x128xf32> to vector<128x50x128xf32>
    %broadcast_in_dim3A_32 = vector.shape_cast %add3A_25 : vector<128x128xf32> to vector<128x1x128xf32>
    %add3A_33 = vector.broadcast %broadcast_in_dim3A_32 : vector<128x1x128xf32> to vector<128x50x128xf32>
    %add3A_34 = arith.addf %reshape3A_31, %add3A_33 : vector<128x50x128xf32>
    %max3A = arith.constant 0.000000e+00 : f32
    %max3A_35 = vector.broadcast %max3A : f32 to vector<128x50x128xf32>
    %max3A_36 = arith.maximumf %add3A_34, %max3A_35 : vector<128x50x128xf32>
    %get3A_37 = arith.constant 0 : index
    %get3A_38 = arith.constant 0 : index
    %get3A_39 = vector.load %arg7[%get3A_37, %get3A_38] : memref<1x128xf32, #tpu.memory_space<vmem>>, vector<1x128xf32>
    %broadcast_in_dim3A_40 = vector.shape_cast %get3A_39 : vector<1x128xf32> to vector<1x1x128xf32>
    %mul3A_41 = vector.broadcast %broadcast_in_dim3A_40 : vector<1x1x128xf32> to vector<128x50x128xf32>
    %mul3A_42 = arith.mulf %max3A_36, %mul3A_41 : vector<128x50x128xf32>
    %reduce_sum3A_43 = arith.constant dense<0.000000e+00> : vector<128x50xf32>
    %reduce_sum3A_44 = vector.multi_reduction <add>, %mul3A_42, %reduce_sum3A_43 [2] : vector<128x50x128xf32> to vector<128x50xf32>
    %get3A_45 = arith.constant 0 : index
    %get3A_46 = arith.constant 0 : index
    %get3A_47 = vector.load %arg8[%get3A_45, %get3A_46] : memref<1x1xf32, #tpu.memory_space<vmem>>, vector<1x1xf32>
    %get3A_48 = vector.extract %get3A_47[0, 0] : f32 from vector<1x1xf32>
    %add3A_49 = vector.broadcast %get3A_48 : f32 to vector<128x50xf32>
    %add3A_50 = arith.addf %reduce_sum3A_44, %add3A_49 : vector<128x50xf32>
    %reduce_max3A_51 = arith.constant dense<0xFF800000> : vector<128xf32>
    %reduce_max3A_52 = vector.multi_reduction <maximumf>, %add3A_50, %reduce_max3A_51 [1] : vector<128x50xf32> to vector<128xf32>
    %broadcast_in_dim3A_53 = vector.shape_cast %reduce_max3A_52 : vector<128xf32> to vector<128x1xf32>
    %sub3A_54 = vector.broadcast %broadcast_in_dim3A_53 : vector<128x1xf32> to vector<128x50xf32>
    %sub3A_55 = arith.subf %add3A_50, %sub3A_54 : vector<128x50xf32>
    %exp3A_56 = math.exp %sub3A_55 : vector<128x50xf32>
    %reduce_sum3A_57 = arith.constant dense<0.000000e+00> : vector<128xf32>
    %reduce_sum3A_58 = vector.multi_reduction <add>, %exp3A_56, %reduce_sum3A_57 [1] : vector<128x50xf32> to vector<128xf32>
    %broadcast_in_dim3A_59 = vector.shape_cast %reduce_sum3A_58 : vector<128xf32> to vector<128x1xf32>
    %div3A_60 = vector.broadcast %broadcast_in_dim3A_59 : vector<128x1xf32> to vector<128x50xf32>
    %div3A_61 = arith.divf %exp3A_56, %div3A_60 : vector<128x50xf32>
    %broadcast_in_dim3A_62 = vector.shape_cast %div3A_61 : vector<128x50xf32> to vector<128x50x1xf32>
    %mul3A_63 = vector.broadcast %broadcast_in_dim3A_62 : vector<128x50x1xf32> to vector<128x50x128xf32>
    %mul3A_64 = arith.mulf %mul3A_63, %get3A_8 : vector<128x50x128xf32>
    %reduce_sum3A_65 = arith.constant dense<0.000000e+00> : vector<128x128xf32>
    %reduce_sum3A_66 = vector.multi_reduction <add>, %mul3A_64, %reduce_sum3A_65 [1] : vector<128x50x128xf32> to vector<128x128xf32>
    %get3A_67 = arith.constant 0 : index
    %get3A_68 = arith.constant 0 : index
    %get3A_69 = vector.load %arg9[%get3A_67, %get3A_68] : memref<128x128xf32, #tpu.memory_space<vmem>>, vector<128x128xf32>
    %dot_general3A_70 = arith.constant dense<0.000000e+00> : vector<128x128xf32>
    %dot_general3A_71 = tpu.matmul %get3A_1, %get3A_69, %dot_general3A_70 {dimension_numbers = #tpu.dot_dimension_numbers<[1], [0], [0], [1], [0, 0, 1, 1], [], []>, precision = #tpu.contract_precision<fp32>, transpose_lhs_hint = false} : vector<128x128xf32>, vector<128x128xf32>, vector<128x128xf32> -> vector<128x128xf32>
    %get3A_72 = arith.constant 0 : index
    %get3A_73 = arith.constant 0 : index
    %get3A_74 = vector.load %arg10[%get3A_72, %get3A_73] : memref<128x128xf32, #tpu.memory_space<vmem>>, vector<128x128xf32>
    %dot_general3A_75 = arith.constant dense<0.000000e+00> : vector<128x128xf32>
    %dot_general3A_76 = tpu.matmul %reduce_sum3A_17, %get3A_74, %dot_general3A_75 {dimension_numbers = #tpu.dot_dimension_numbers<[1], [0], [0], [1], [0, 0, 1, 1], [], []>, precision = #tpu.contract_precision<fp32>, transpose_lhs_hint = false} : vector<128x128xf32>, vector<128x128xf32>, vector<128x128xf32> -> vector<128x128xf32>
    %add3A_77 = arith.addf %dot_general3A_71, %dot_general3A_76 : vector<128x128xf32>
    %get3A_78 = arith.constant 0 : index
    %get3A_79 = arith.constant 0 : index
    %get3A_80 = vector.load %arg11[%get3A_78, %get3A_79] : memref<1x128xf32, #tpu.memory_space<vmem>>, vector<1x128xf32>
    %add3A_81 = vector.broadcast %get3A_80 : vector<1x128xf32> to vector<128x128xf32>
    %add3A_82 = arith.addf %add3A_77, %add3A_81 : vector<128x128xf32>
    %max3A_83 = arith.constant 0.000000e+00 : f32
    %max3A_84 = vector.broadcast %max3A_83 : f32 to vector<128x128xf32>
    %max3A_85 = arith.maximumf %add3A_82, %max3A_84 : vector<128x128xf32>
    %get3A_86 = arith.constant 0 : index
    %get3A_87 = arith.constant 0 : index
    %get3A_88 = vector.load %arg12[%get3A_86, %get3A_87] : memref<128x128xf32, #tpu.memory_space<vmem>>, vector<128x128xf32>
    %dot_general3A_89 = arith.constant dense<0.000000e+00> : vector<128x128xf32>
    %dot_general3A_90 = tpu.matmul %max3A_85, %get3A_88, %dot_general3A_89 {dimension_numbers = #tpu.dot_dimension_numbers<[1], [0], [0], [1], [0, 0, 1, 1], [], []>, precision = #tpu.contract_precision<fp32>, transpose_lhs_hint = false} : vector<128x128xf32>, vector<128x128xf32>, vector<128x128xf32> -> vector<128x128xf32>
    %get3A_91 = arith.constant 0 : index
    %get3A_92 = arith.constant 0 : index
    %get3A_93 = vector.load %arg13[%get3A_91, %get3A_92] : memref<1x128xf32, #tpu.memory_space<vmem>>, vector<1x128xf32>
    %add3A_94 = vector.broadcast %get3A_93 : vector<1x128xf32> to vector<128x128xf32>
    %add3A_95 = arith.addf %dot_general3A_90, %add3A_94 : vector<128x128xf32>
    %add3A_96 = arith.addf %add3A_95, %reduce_sum3A_66 : vector<128x128xf32>
    %swap3A = arith.constant 0 : index
    %swap3A_97 = arith.constant 0 : index
    %swap3A_98 = vector.load %arg14[%swap3A, %swap3A_97] : memref<128x128xf32, #tpu.memory_space<vmem>>, vector<128x128xf32>
    tpu.vector_store %arg14[%swap3A, %swap3A_97], %add3A_96 {strides = array<i32>} : memref<128x128xf32, #tpu.memory_space<vmem>>, vector<128x128xf32>,
    return
  }
  func.func @transform_0(%arg0: i32) -> (i32, i32) {
    %c0_i32 = arith.constant 0 : i32
    %c0_i32_0 = arith.constant 0 : i32
    return %arg0, %c0_i32 : i32, i32
  }
  func.func @transform_1(%arg0: i32) -> (i32, i32) {
    %c0_i32 = arith.constant 0 : i32
    %c0_i32_0 = arith.constant 0 : i32
    return %arg0, %c0_i32 : i32, i32
  }
  func.func @transform_2(%arg0: i32) -> (i32, i32, i32) {
    %c0_i32 = arith.constant 0 : i32
    %c0_i32_0 = arith.constant 0 : i32
    %c0_i32_1 = arith.constant 0 : i32
    return %arg0, %c0_i32, %c0_i32_0 : i32, i32, i32
  }
  func.func @transform_3(%arg0: i32) -> (i32, i32) {
    %c0_i32 = arith.constant 0 : i32
    %c0_i32_0 = arith.constant 0 : i32
    %c0_i32_1 = arith.constant 0 : i32
    return %c0_i32, %c0_i32_0 : i32, i32
  }
  func.func @transform_4(%arg0: i32) -> (i32, i32) {
    %c0_i32 = arith.constant 0 : i32
    %c0_i32_0 = arith.constant 0 : i32
    %c0_i32_1 = arith.constant 0 : i32
    return %c0_i32, %c0_i32_0 : i32, i32
  }
  func.func @transform_5(%arg0: i32) -> (i32, i32) {
    %c0_i32 = arith.constant 0 : i32
    %c0_i32_0 = arith.constant 0 : i32
    %c0_i32_1 = arith.constant 0 : i32
    return %c0_i32, %c0_i32_0 : i32, i32
  }
  func.func @transform_6(%arg0: i32) -> (i32, i32) {
    %c0_i32 = arith.constant 0 : i32
    %c0_i32_0 = arith.constant 0 : i32
    %c0_i32_1 = arith.constant 0 : i32
    return %c0_i32, %c0_i32_0 : i32, i32
  }
  func.func @transform_7(%arg0: i32) -> (i32, i32) {
    %c0_i32 = arith.constant 0 : i32
    %c0_i32_0 = arith.constant 0 : i32
    %c0_i32_1 = arith.constant 0 : i32
    return %c0_i32, %c0_i32_0 : i32, i32
  }
  func.func @transform_8(%arg0: i32) -> (i32, i32) {
    %c0_i32 = arith.constant 0 : i32
    %c0_i32_0 = arith.constant 0 : i32
    %c0_i32_1 = arith.constant 0 : i32
    return %c0_i32, %c0_i32_0 : i32, i32
  }
  func.func @transform_9(%arg0: i32) -> (i32, i32) {
    %c0_i32 = arith.constant 0 : i32
    %c0_i32_0 = arith.constant 0 : i32
    %c0_i32_1 = arith.constant 0 : i32
    return %c0_i32, %c0_i32_0 : i32, i32
  }
  func.func @transform_10(%arg0: i32) -> (i32, i32) {
    %c0_i32 = arith.constant 0 : i32
    %c0_i32_0 = arith.constant 0 : i32
    %c0_i32_1 = arith.constant 0 : i32
    return %c0_i32, %c0_i32_0 : i32, i32
  }
  func.func @transform_11(%arg0: i32) -> (i32, i32) {
    %c0_i32 = arith.constant 0 : i32
    %c0_i32_0 = arith.constant 0 : i32
    %c0_i32_1 = arith.constant 0 : i32
    return %c0_i32, %c0_i32_0 : i32, i32
  }
  func.func @transform_12(%arg0: i32) -> (i32, i32) {
    %c0_i32 = arith.constant 0 : i32
    %c0_i32_0 = arith.constant 0 : i32
    %c0_i32_1 = arith.constant 0 : i32
    return %c0_i32, %c0_i32_0 : i32, i32
  }
  func.func @transform_13(%arg0: i32) -> (i32, i32) {
    %c0_i32 = arith.constant 0 : i32
    %c0_i32_0 = arith.constant 0 : i32
    return %arg0, %c0_i32 : i32, i32
  }
}

</mosaic_0001>

<sc_bundles>
// kernel: kernel.11.cloned.1.call-start
scs
__scs_entry_jumppad:
0x0: {  	(pc) =	sbr.rel $0x88, $3  }
0x1: {  	(tag) =	ssettag $0x0;
	lr =	simm.s32 $0x1  }
0x2: {  	[smem:$0x3F8E] =	sst lr;
	_ =	strace $0xD0000000  }
0x3: {  	_ = 	snop  }
0x4: {  	_ = 	snop  }
0x5: {  	_ = 	snop  }
0x6: {  	_ = 	snop  }
0x7: {  	_ = 	snop  }
__scs_overlays_trampoline_lowered:
0x8: {  	[smem:$0x3F9D] =	sst s0  }
0x9: {  	[smem:$0x3F9E] =	sst s1  }
0xa: {  	[smem:$0x3F9F] =	sst s2  }
0xb: {  	[smem:$0x3FA0] =	sst s3  }
0xc: {  	[smem:$0x3FA1] =	sst s4  }
0xd: {  	[smem:$0x3FA2] =	sst s5  }
0xe: {  	[smem:$0x3FA3] =	sst s6  }
0xf: {  	[smem:$0x3FA4] =	sst s7  }
0x10: {  	[smem:$0x3FA5] =	sst s8  }
0x11: {  	[smem:$0x3FA6] =	sst s9;
	s0 =	simm.s32 @!p0 $0x0  }
0x12: {  	s1 =	sld [smem:$0x3F8C];
	s0 =	simm.s32 @p0 $0x1  }
0x13: {  	[smem:$0x3FA7] =	sst s0;
	s0 =	simm.s32 @!p1 $0x0  }
0x14: {  	s2 =	sld [smem:$0x3F8B];
	s0 =	simm.s32 @p1 $0x1  }
0x15: {  	[smem:$0x3FA8] =	sst s0;
	s0 =	simm.s32 @!p2 $0x0  }
0x16: {  	s3 =	sld [smem:$0x3FDB];
	s0 =	simm.s32 @p2 $0x1  }
0x17: {  	s4 =	simm.s32 $0x1BF5;
	[smem:$0x3FAA] =	sst s0  }
0x18: {  	s0 =	sld [smem:$0x3F8D];
	_ =	swait.ge [sflag:s4], $0x0  }
0x19: {  	s7 =	sld [smem:$0x3F8E]  }
0x1a: {  	s8 =	sadd.s32 $0xFFFFE003, lr  }
0x1b: {  	s9 =	sadd.s32 $0xFFFFFEF7, lr;
	s5 =	simm.s32 $0xFFFFFFFF;
	p2 =	slt.u32 s8, $0xFFFFF086  }
0x1c: {  	p1 =	slt.u32 s9, $0xF7A;
	s5 =	simm.s32 @!p2 $0x0  }
0x1d: {  	s5 =	simm.s32 @p1 $0x1;
	p0 =	seq.s32 s7, s2  }
0x1e: {  	s7 =	smul.u32 @!p0 $0xF7A, s2;
	p2 =	seq.s32 @!p0 s5, $0x0  }
0x1f: {  	s9 =	smul.u32 $0xF7A, s1;
	s8 =	simm.s32 @!p0 $0x1BF5;
	p2 =	por !p2, p0  }
0x20: {  	[sflag:s8] =	ssyncset.s32 @!p0 $0xFFFFF086;
	s6 =	sadd.s32 @!p0 s3, s7;
	s7 =	simm.s32 @!p0 $0x108  }
0x21: {  	s3 =	sadd.s32 s3, s9;
	s6 =	sadd.s32 @!p0 $0x88, s6;
	s7 =	simm.s32 @p2 $0x1082  }
0x22: {  	[simem:s7], [sflag:s8] =	dma.local @!p0 [hbm:s6], $0xF7A  }
0x23: {  	s9 =	sor.u32 $0xD0000000, s2;
	s6 =	simm.s32 $0x108;
	_ =	swait.ge @!p0 [sflag:s8], $0x0  }
0x24: {  	s3 =	sadd.s32 $0x88, s3;
	s6 =	simm.s32 @!p1 $0x1082;
	[sflag:s4] =	ssyncset.s32 $0xFFFFF086  }
0x25: {  	[simem:s6], [sflag:s4] =	dma.local [hbm:s3], $0xF7A  }
0x26: {  	[smem:$0x3F8E] =	sst s1;
	(tag) =	ssettag s2;
	_ =	strace s9  }
0x27: {  	s1 =	sld [smem:$0x3F9E]  }
0x28: {  	s2 =	sld [smem:$0x3F9F]  }
0x29: {  	s4 =	sld [smem:$0x3FA1]  }
0x2a: {  	p0 =	seq.s32 s5, $0x0;
	s5 =	sld [smem:$0x3FA2]  }
0x2b: {  	s6 =	sld [smem:$0x3FA3]  }
0x2c: {  	s7 =	sld [smem:$0x3FA4]  }
0x2d: {  	s3 =	simm.s32 $0x108;
	s8 =	sld [smem:$0x3FA5]  }
0x2e: {  	s3 =	simm.s32 @!p0 $0x1082;
	s9 =	sld [smem:$0x3FA6]  }
0x2f: {  	lr =	sadd.s32 s0, s3;
	s0 =	sld [smem:$0x3F9D]  }
0x30: {  	s3 =	sld [smem:$0x3FA0]  }
0x31: {  	[smem:$0x3FA9] =	sst s10  }
0x32: {  	s10 =	sld [smem:$0x3FA7];
	_ =	sdelay $0x3  }
0x33: {  	p0 =	seq.s32 s10, $0x1;
	s10 =	sld [smem:$0x3FA9];
	_ =	sdelay $0x3  }
0x34: {  	[smem:$0x3FA9] =	sst s10  }
0x35: {  	s10 =	sld [smem:$0x3FA8];
	_ =	sdelay $0x3  }
0x36: {  	p1 =	seq.s32 s10, $0x1;
	s10 =	sld [smem:$0x3FA9];
	_ =	sdelay $0x3  }
0x37: {  	[smem:$0x3FA9] =	sst s10  }
0x38: {  	s10 =	sld [smem:$0x3FAA]  }
0x39: {  	_ = 	snop;
	(pc) =	sbr.ind lr, $3  }
0x3a: {  	_ = 	snop  }
0x3b: {  	_ = 	snop  }
0x3c: {  	p2 =	seq.s32 s10, $0x1;
	s10 =	sld [smem:$0x3FA9]  }
0x3d: {  	_ =	shalt  }
0x3e: {  	_ =	shalt  }
0x3f: {  	_ =	shalt  }
0x40: {  	_ =	shalt  }
0x41: {  	_ =	shalt  }
0x42: {  	_ =	shalt  }
0x43: {  	_ =	shalt  }
0x44: {  	_ =	shalt  }
0x45: {  	_ =	shalt  }
0x46: {  	_ =	shalt  }
0x47: {  	_ =	shalt  }
0x48: {  	_ =	shalt  }
0x49: {  	_ =	shalt  }
0x4a: {  	_ =	shalt  }
0x4b: {  	_ =	shalt  }
0x4c: {  	_ =	shalt  }
0x4d: {  	_ =	shalt  }
0x4e: {  	_ =	shalt  }
0x4f: {  	_ =	shalt  }
0x50: {  	_ =	shalt  }
0x51: {  	_ =	shalt  }
0x52: {  	_ =	shalt  }
0x53: {  	_ =	shalt  }
0x54: {  	_ =	shalt  }
0x55: {  	_ =	shalt  }
0x56: {  	_ =	shalt  }
0x57: {  	_ =	shalt  }
0x58: {  	_ =	shalt  }
0x59: {  	_ =	shalt  }
0x5a: {  	_ =	shalt  }
0x5b: {  	_ =	shalt  }
0x5c: {  	_ =	shalt  }
0x5d: {  	_ =	shalt  }
0x5e: {  	_ =	shalt  }
0x5f: {  	_ =	shalt  }
0x60: {  	_ =	shalt  }
0x61: {  	_ =	shalt  }
0x62: {  	_ =	shalt  }
0x63: {  	_ =	shalt  }
0x64: {  	_ =	shalt  }
0x65: {  	_ =	shalt  }
0x66: {  	_ =	shalt  }
0x67: {  	_ =	shalt  }
0x68: {  	_ =	shalt  }
0x69: {  	_ =	shalt  }
0x6a: {  	_ =	shalt  }
0x6b: {  	_ =	shalt  }
0x6c: {  	_ =	shalt  }
0x6d: {  	_ =	shalt  }
0x6e: {  	_ =	shalt  }
0x6f: {  	_ =	shalt  }
0x70: {  	_ =	shalt  }
0x71: {  	_ =	shalt  }
0x72: {  	_ =	shalt  }
0x73: {  	_ =	shalt  }
0x74: {  	_ =	shalt  }
0x75: {  	_ =	shalt  }
0x76: {  	_ =	shalt  }
0x77: {  	_ =	shalt  }
0x78: {  	_ =	shalt  }
0x79: {  	_ =	shalt  }
0x7a: {  	_ =	shalt  }
0x7b: {  	_ =	shalt  }
0x7c: {  	_ =	shalt  }
0x7d: {  	_ =	shalt  }
0x7e: {  	_ =	shalt  }
0x7f: {  	_ =	shalt  }
0x80: {  	_ =	shalt  }
0x81: {  	_ =	shalt  }
0x82: {  	_ =	shalt  }
0x83: {  	_ =	shalt  }
0x84: {  	_ =	shalt  }
0x85: {  	_ =	shalt  }
0x86: {  	_ =	shalt  }
0x87: {  	_ =	shalt  }
.Lfunc_end0:
.L_simem_size_0:
called_computation.1_lowered:
.L_overlay_start_0:
0x88: {  	s2 =	sld [smem:$0x3FD9]  }
0x89: {  	s3 =	sld [smem:$0x3FFE];
	_ =	sdelay $0x1  }
0x8a: {  	s1 =	srdreg.scid  }
0x8b: {  	s0 =	sand.u32 $0x1, s1  }
0x8c: {  	s17 =	sshll.u32 s0, $0xA;
	s2 =	sadd.s32 s3, s2  }
0x8d: {  	s2 =	sadd.s32 s2, s17  }
0x8e: {  	[smem:$0x3FB5] =	sst s2  }
0x8f: {  	_ = 	snop  }
0x90: {  	s2 =	sld [smem:$0x3FC8]  }
0x91: {  	s18 =	sld [smem:$0x3FD0];
	(tm) =	ssettm $0x1  }
0x92: {  	s4 =	sld [smem:$0x3FFB];
	_ =	sdelay $0x3  }
0x93: {  	_ =	strace s4  }
0x94: {  	s4 =	sld [smem:$0x3FFC];
	_ =	sdelay $0x3  }
0x95: {  	_ =	strace s4  }
0x96: {  	s4 =	sld [smem:$0x3FFD];
	_ =	sdelay $0x3  }
0x97: {  	_ =	strace s4  }
0x98: {  	_ =	strace $0x8FFFFFFF  }
0x99: {  	s19 =	sld [smem:$0x3FDB];
	_ =	sdelay $0x1  }
0x9a: {  	s5 =	simm.s32 $_scs_section_size  }
0x9b: {  	s6 =	simm.s32 $_size__tile_overlayer_lowered;
	s7 =	simm.s32 $_tile_overlayer_lowered  }
0x9c: {  	s22 =	simm.s32 $0x1BFF;
	s21 =	sshll.u32 s7, $0x1;
	s4 =	sadd.s32 s5, s19  }
0x9d: {  	s8 =	simm.s32 $0x0;
	s20 =	sshll.u32 s6, $0x1;
	s6 =	sadd.s32 s21, s4  }
0x9e: {  	[timem:s8], [sflag:s22] =	dma.local [hbm:s6], s20  }
0x9f: {  	_ =	swait.ge [sflag:s22], s20  }
0xa0: {  	s5 =	ssub.s32 $0x0, s20;
	[sflag:s22] =	ssyncset.done $0x0  }
0xa1: {  	[sflag:s22] =	ssyncadd.s32 s5;
	_ =	sdelay $0x1  }
0xa2: {  	s23 =	simm.s32 $0x1B8B  }
0xa3: {  	_ =	swait.ge [sflag:s23], $0x1  }
0xa4: {  	[sflag:s23] =	ssyncset.done $0x0  }
0xa5: {  	s25 =	simm.s32 $0x1B8E;
	s24 =	sld [smem:$0x3FFE];
	[sflag:s23] =	ssyncadd.s32 $0xFFFFFFFF  }
0xa6: {  	s26 =	simm.s32 $execute0_lowered;
	[smem:$0x3FD2] =	sst s25  }
0xa7: {  	s6 =	sshll.u32 s26, $0x1;
	_ =	strace $0x80000049;
	[dreg:$0x1] =	wrdreg $0xFFFFFFFF  }
0xa8: {  	s28 =	simm.s32 $_size_execute0_lowered;
	s4 =	sadd.s32 s4, s6;
	[dreg:$0x0] =	wrdreg $0x0  }
0xa9: {  	s6 =	sshll.u32 s28, $0x1;
	[dreg:$0x2] =	wrdreg s4  }
0xaa: {  	[dreg:$0x3] =	wrdreg s6  }
0xab: {  	[dreg:$0x4] =	wrdreg $0xC0  }
0xac: {  	_ =	task [dreg:s8], $0x5FFFF  }
0xad: {  	[dreg:$0x1] =	wrdreg $0xFFFFFFFF  }
0xae: {  	[dreg:$0x0] =	wrdreg $0x60  }
0xaf: {  	[dreg:$0x2] =	wrdreg s2  }
0xb0: {  	[dreg:$0x3] =	wrdreg s18  }
0xb1: {  	[dreg:$0x4] =	wrdreg s24  }
0xb2: {  	[dreg:$0x5] =	wrdreg $0x9  }
0xb3: {  	_ =	task.clear_ibuf [dreg:s8], $0x6FFFF;
	_ =	strace $0x90000049  }
0xb4: {  	s29 =	simm.s32 $0x9;
	_ =	strace $0x8000004B  }
0xb5: {  	_ =	swait.ge [sflag:s29], $0x1  }
0xb6: {  	[sflag:s29] =	ssyncadd.s32 $0xFFFFFFFF  }
0xb7: {  	_ =	strace $0x9000004B  }
0xb8: {  	_ =	sfence  }
0xb9: {  	s30 =	sld [smem:$0x0];
	_ =	sdelay $0x2  }
0xba: {  	s31 =	sshll.u32 s1, $0xD;
	s1 =	sshrl.u32 s1, $0x2  }
0xbb: {  	s3 =	sand.u32 $0x4000, s31;
	s1 =	sadd.s32 s1, s30  }
0xbc: {  	s0 =	sor.u32 s3, s0;
	s1 =	sshll.u32 s1, $0x11  }
0xbd: {  	s0 =	sor.u32 s1, s0  }
0xbe: {  	s0 =	sadd.s32 $0x8F2B, s0  }
0xbf: {  	[sflag:s0] =	ssyncadd.remote.s32 $0x1  }
0xc0: {  	_ =	sfence.sel $0xFFFF  }
0xc1: {  	[dreg:$0x0] =	wrdreg $0xFFFFFFFF;
	(pc) =	sbr.abs _section_cstart, $3  }
0xc2: {  	[dreg:$0x1] =	wrdreg $0xFFFFFFFF  }
0xc3: {  	_ =	task.clear_ibuf [dreg:s8], $0x2FFFF;
	_ =	strace $0x9FFFFFFF  }
0xc4: {  	(tm) =	ssettm $0x7FFFFFFF  }
0xc5: {  	_ =	shalt  }
tec
execute0_lowered:
.L_overlay_start_1:
0x0: {  	(tag) =	ssettag $0x1  }
0x1: {  	s1 =	rddreg [dreg:$0x0]  }
0x2: {  	s6 =	rddreg [dreg:$0x1]  }
0x3: {  	s4 =	rddreg [dreg:$0x2]  }
0x4: {  	s0 =	rddreg [dreg:$0x3];
	s2 =	stileid.u32  }
0x5: {  	s5 =	srdreg.scid;
	s7 =	smul.u32 $0xC800, s2  }
0x6: {  	s3 =	simm.s32 $0x0;
	s5 =	sand.u32 $0x1, s5;
	s10 =	smul.u32 $0x280, s2  }
0x7: {  	s11 =	simm.s32 $0x0;
	[smem:$0x7FF] =	sst s3;
	s9 =	smul.u32 $0x6400, s5  }
0x8: {  	_ =	strace $0x8000004A;
	s8 =	ssub.s32 $0x2, s5;
	s31 =	smul.u32 $0x140, s5  }
0x9: {  	s4 =	sadd.s32 s7, s4;
	s29 =	sshrl.u32 s8, $0x1;
	s6 =	sadd.s32 s10, s6  }
0xa: {  	s10 =	simm.s32 $0x1;
	s7 =	ssub.s32 s8, s29;
	s30 =	sadd.s32 s9, s4  }
0xb: {  	s6 =	sadd.s32 s31, s6;
	s8 =	simm.s32 $0x50;
	s9 =	simm.s32 $0x80  }
0xc: {  	s4 =	smax.u32 s7, $0x1;
	s5 =	sadd.s32 $0x2800, s30;
	s7 =	simm.s32 $0x2  }
.LBB2_1:
0xd: {  	s12 =	sadd.s32 $0x0, s6  }
0xe: {  	[tilespmem:s3], [sflag:$0x2] =	stream.linear.gather [hbm4b:s12+s3], $0x80, $0x38;
	[tilespmem:$0x2880] =	vst v63  }
0xf: {  	_ =	swait.ge [sflag:s7], $0x80  }
0x10: {  	[sflag:s7] =	ssyncset.done $0x0  }
0x11: {  	[sflag:s7] =	ssyncadd.s32 $0xFFFFFF80  }
0x12: {  	[tilespmem:s9], [sflag:$0x1] =	stream.indirect.gather [hbm4b:s1+s8], $0x80, s3, s8, $0xb8;
	[tilespmem:$0x2880] =	vst v63  }
0x13: {  	_ =	swait.ge [sflag:s10], $0x2800  }
0x14: {  	[sflag:s10] =	ssyncset.done $0x0  }
0x15: {  	[sflag:s10] =	ssyncadd.s32 $0xFFFFD800  }
0x16: {  	[hbm4b:s5+s3] =	stream.linear.scatter [tilespmem:s9], [sflag:$0x2], $0x2800, $0x38;
	[tilespmem:$0x2880] =	vst v63  }
0x17: {  	s13 =	simm.s32 $0x10;
	_ =	swait.ge [sflag:s7], $0x2800  }
0x18: {  	s14 =	simm.s32 $0x20;
	s12 =	sadd.s32 $0x500, s5;
	[sflag:s7] =	ssyncset.done $0x0  }
.LBB2_2:
0x19: {  	s15 =	sadd.s32 s13, s6  }
0x1a: {  	[sflag:s7] =	ssyncadd.s32 $0xFFFFD800;
	s13 =	smov.u32 s14;
	s16 =	sadd.s32 $0x10, s14  }
0x1b: {  	[tilespmem:s3], [sflag:$0x2] =	stream.linear.gather [hbm4b:s15+s3], $0x80, $0x38;
	[tilespmem:$0x2880] =	vst v63  }
0x1c: {  	p0 =	sne.s32 s14, $0x130;
	_ =	swait.ge [sflag:s7], $0x80  }
0x1d: {  	[sflag:s7] =	ssyncset.done $0x0  }
0x1e: {  	[sflag:s7] =	ssyncadd.s32 $0xFFFFFF80  }
0x1f: {  	[tilespmem:s9], [sflag:$0x1] =	stream.indirect.gather [hbm4b:s1+s8], $0x80, s3, s8, $0xb8;
	[tilespmem:$0x2880] =	vst v63  }
0x20: {  	_ =	swait.ge [sflag:s10], $0x2800  }
.Ltmp0:
0x21: {  	[sflag:s10] =	ssyncset.done $0x0;
	(pc) =	sbr.rel @p0 .LBB2_2-.Ltmp0, $4  }
0x22: {  	[sflag:s10] =	ssyncadd.s32 $0xFFFFD800  }
0x23: {  	[hbm4b:s12+s3] =	stream.linear.scatter [tilespmem:s9], [sflag:$0x2], $0x2800, $0x38;
	[tilespmem:$0x2880] =	vst v63  }
0x24: {  	_ =	swait.ge [sflag:s7], $0x2800  }
0x25: {  	s14 =	smov.u32 s16;
	s12 =	sadd.s32 $0x500, s12;
	[sflag:s7] =	ssyncset.done $0x0  }
0x26: {  	s13 =	sadd.s32 s13, s6;
	[sflag:s7] =	ssyncadd.s32 $0xFFFFD800  }
0x27: {  	[tilespmem:s3], [sflag:$0x2] =	stream.linear.gather [hbm4b:s13+s3], $0x80, $0x38;
	[tilespmem:$0x2880] =	vst v63  }
0x28: {  	_ =	swait.ge [sflag:s7], $0x80  }
0x29: {  	[sflag:s7] =	ssyncset.done $0x0  }
0x2a: {  	[sflag:s7] =	ssyncadd.s32 $0xFFFFFF80  }
0x2b: {  	[tilespmem:s9], [sflag:$0x1] =	stream.indirect.gather [hbm4b:s1+s8], $0x80, s3, s8, $0xb8;
	[tilespmem:$0x2880] =	vst v63  }
0x2c: {  	s11 =	sadd.s32 $0x1, s11;
	_ =	swait.ge [sflag:s10], $0x2800  }
0x2d: {  	p0 =	sne.s32 s11, s4;
	[sflag:s10] =	ssyncset.done $0x0  }
.Ltmp1:
0x2e: {  	[sflag:s10] =	ssyncadd.s32 $0xFFFFD800;
	(pc) =	sbr.rel @p0 .LBB2_1-.Ltmp1, $4  }
0x2f: {  	[hbm4b:s12+s3] =	stream.linear.scatter [tilespmem:s9], [sflag:$0x2], $0x2800, $0x38;
	[tilespmem:$0x2880] =	vst v63  }
0x30: {  	_ =	swait.ge [sflag:s7], $0x2800  }
0x31: {  	[sflag:s7] =	ssyncset.done $0x0  }
0x32: {  	[sflag:s7] =	ssyncadd.s32 $0xFFFFD800  }
0x33: {  	_ =	sfence.sel $0x180000  }
0x34: {  	[bflag:$0x0] =	sbarrier.arrive $0xFFFF  }
0x35: {  	p0 =	sne.s32 s2, $0x0;
	_ =	strace $0x9000004A  }
0x36: {  	s0 =	sadd.s32 @!p0 $0x100000, s0;
	[bflag:$0x2] =	sbarrier.arrive $0xFFFF  }
0x37: {  	[sflag:s0] =	ssyncadd.tile.s32 @!p0 $0x1;
	_ =	shalt  }
.Lfunc_end2:
_tile_overlayer_lowered:
.L_overlay_start_2:
0x38: {  	(tag) =	ssettag $0x2  }
0x39: {  	s0 =	rddreg [dreg:$0x0];
	s2 =	stileid.u32  }
0x3a: {  	s1 =	rddreg [dreg:$0x1];
	p0 =	sne.s32 s2, $0x0  }
0x3b: {  	s3 =	rddreg [dreg:$0x2];
	[bflag:$0x3] =	sbarrier.arrive $0xFFFF;
	s2 =	simm.s32 @!p0 $0x1C02  }
0x3c: {  	[timem:s3], [sflag:s2] =	dma.local @!p0 [hbm:s0], s1  }
0x3d: {  	s0 =	simm.s32 @!p0 $0x2  }
0x3e: {  	_ =	swait.ge @!p0 [sflag:s0], s1  }
0x3f: {  	s1 =	ssub.s32 @!p0 $0x0, s1;
	[sflag:s0] =	ssyncset.done @!p0 $0x0  }
0x40: {  	[sflag:s0] =	ssyncadd.s32 @!p0 s1  }
0x41: {  	[bflag:$0x3] =	sbarrier.arrive $0xFFFF  }
0x42: {  	_ =	shalt  }

// kernel: kernel.8.cloned.1.call-start
scs
__scs_entry_jumppad:
0x0: {  	(pc) =	sbr.rel $0x88, $3  }
0x1: {  	(tag) =	ssettag $0x0;
	lr =	simm.s32 $0x1  }
0x2: {  	[smem:$0x3F8E] =	sst lr;
	_ =	strace $0xD0000000  }
0x3: {  	_ = 	snop  }
0x4: {  	_ = 	snop  }
0x5: {  	_ = 	snop  }
0x6: {  	_ = 	snop  }
0x7: {  	_ = 	snop  }
__scs_overlays_trampoline_lowered:
0x8: {  	[smem:$0x3F9D] =	sst s0  }
0x9: {  	[smem:$0x3F9E] =	sst s1  }
0xa: {  	[smem:$0x3F9F] =	sst s2  }
0xb: {  	[smem:$0x3FA0] =	sst s3  }
0xc: {  	[smem:$0x3FA1] =	sst s4  }
0xd: {  	[smem:$0x3FA2] =	sst s5  }
0xe: {  	[smem:$0x3FA3] =	sst s6  }
0xf: {  	[smem:$0x3FA4] =	sst s7  }
0x10: {  	[smem:$0x3FA5] =	sst s8  }
0x11: {  	[smem:$0x3FA6] =	sst s9;
	s0 =	simm.s32 @!p0 $0x0  }
0x12: {  	s1 =	sld [smem:$0x3F8C];
	s0 =	simm.s32 @p0 $0x1  }
0x13: {  	[smem:$0x3FA7] =	sst s0;
	s0 =	simm.s32 @!p1 $0x0  }
0x14: {  	s2 =	sld [smem:$0x3F8B];
	s0 =	simm.s32 @p1 $0x1  }
0x15: {  	[smem:$0x3FA8] =	sst s0;
	s0 =	simm.s32 @!p2 $0x0  }
0x16: {  	s3 =	sld [smem:$0x3FDB];
	s0 =	simm.s32 @p2 $0x1  }
0x17: {  	s4 =	simm.s32 $0x1BF5;
	[smem:$0x3FAA] =	sst s0  }
0x18: {  	s0 =	sld [smem:$0x3F8D];
	_ =	swait.ge [sflag:s4], $0x0  }
0x19: {  	s7 =	sld [smem:$0x3F8E]  }
0x1a: {  	s8 =	sadd.s32 $0xFFFFE003, lr  }
0x1b: {  	s9 =	sadd.s32 $0xFFFFFEF7, lr;
	s5 =	simm.s32 $0xFFFFFFFF;
	p2 =	slt.u32 s8, $0xFFFFF086  }
0x1c: {  	p1 =	slt.u32 s9, $0xF7A;
	s5 =	simm.s32 @!p2 $0x0  }
0x1d: {  	s5 =	simm.s32 @p1 $0x1;
	p0 =	seq.s32 s7, s2  }
0x1e: {  	s7 =	smul.u32 @!p0 $0xF7A, s2;
	p2 =	seq.s32 @!p0 s5, $0x0  }
0x1f: {  	s9 =	smul.u32 $0xF7A, s1;
	s8 =	simm.s32 @!p0 $0x1BF5;
	p2 =	por !p2, p0  }
0x20: {  	[sflag:s8] =	ssyncset.s32 @!p0 $0xFFFFF086;
	s6 =	sadd.s32 @!p0 s3, s7;
	s7 =	simm.s32 @!p0 $0x108  }
0x21: {  	s3 =	sadd.s32 s3, s9;
	s6 =	sadd.s32 @!p0 $0x88, s6;
	s7 =	simm.s32 @p2 $0x1082  }
0x22: {  	[simem:s7], [sflag:s8] =	dma.local @!p0 [hbm:s6], $0xF7A  }
0x23: {  	s9 =	sor.u32 $0xD0000000, s2;
	s6 =	simm.s32 $0x108;
	_ =	swait.ge @!p0 [sflag:s8], $0x0  }
0x24: {  	s3 =	sadd.s32 $0x88, s3;
	s6 =	simm.s32 @!p1 $0x1082;
	[sflag:s4] =	ssyncset.s32 $0xFFFFF086  }
0x25: {  	[simem:s6], [sflag:s4] =	dma.local [hbm:s3], $0xF7A  }
0x26: {  	[smem:$0x3F8E] =	sst s1;
	(tag) =	ssettag s2;
	_ =	strace s9  }
0x27: {  	s1 =	sld [smem:$0x3F9E]  }
0x28: {  	s2 =	sld [smem:$0x3F9F]  }
0x29: {  	s4 =	sld [smem:$0x3FA1]  }
0x2a: {  	p0 =	seq.s32 s5, $0x0;
	s5 =	sld [smem:$0x3FA2]  }
0x2b: {  	s6 =	sld [smem:$0x3FA3]  }
0x2c: {  	s7 =	sld [smem:$0x3FA4]  }
0x2d: {  	s3 =	simm.s32 $0x108;
	s8 =	sld [smem:$0x3FA5]  }
0x2e: {  	s3 =	simm.s32 @!p0 $0x1082;
	s9 =	sld [smem:$0x3FA6]  }
0x2f: {  	lr =	sadd.s32 s0, s3;
	s0 =	sld [smem:$0x3F9D]  }
0x30: {  	s3 =	sld [smem:$0x3FA0]  }
0x31: {  	[smem:$0x3FA9] =	sst s10  }
0x32: {  	s10 =	sld [smem:$0x3FA7];
	_ =	sdelay $0x3  }
0x33: {  	p0 =	seq.s32 s10, $0x1;
	s10 =	sld [smem:$0x3FA9];
	_ =	sdelay $0x3  }
0x34: {  	[smem:$0x3FA9] =	sst s10  }
0x35: {  	s10 =	sld [smem:$0x3FA8];
	_ =	sdelay $0x3  }
0x36: {  	p1 =	seq.s32 s10, $0x1;
	s10 =	sld [smem:$0x3FA9];
	_ =	sdelay $0x3  }
0x37: {  	[smem:$0x3FA9] =	sst s10  }
0x38: {  	s10 =	sld [smem:$0x3FAA]  }
0x39: {  	_ = 	snop;
	(pc) =	sbr.ind lr, $3  }
0x3a: {  	_ = 	snop  }
0x3b: {  	_ = 	snop  }
0x3c: {  	p2 =	seq.s32 s10, $0x1;
	s10 =	sld [smem:$0x3FA9]  }
0x3d: {  	_ =	shalt  }
0x3e: {  	_ =	shalt  }
0x3f: {  	_ =	shalt  }
0x40: {  	_ =	shalt  }
0x41: {  	_ =	shalt  }
0x42: {  	_ =	shalt  }
0x43: {  	_ =	shalt  }
0x44: {  	_ =	shalt  }
0x45: {  	_ =	shalt  }
0x46: {  	_ =	shalt  }
0x47: {  	_ =	shalt  }
0x48: {  	_ =	shalt  }
0x49: {  	_ =	shalt  }
0x4a: {  	_ =	shalt  }
0x4b: {  	_ =	shalt  }
0x4c: {  	_ =	shalt  }
0x4d: {  	_ =	shalt  }
0x4e: {  	_ =	shalt  }
0x4f: {  	_ =	shalt  }
0x50: {  	_ =	shalt  }
0x51: {  	_ =	shalt  }
0x52: {  	_ =	shalt  }
0x53: {  	_ =	shalt  }
0x54: {  	_ =	shalt  }
0x55: {  	_ =	shalt  }
0x56: {  	_ =	shalt  }
0x57: {  	_ =	shalt  }
0x58: {  	_ =	shalt  }
0x59: {  	_ =	shalt  }
0x5a: {  	_ =	shalt  }
0x5b: {  	_ =	shalt  }
0x5c: {  	_ =	shalt  }
0x5d: {  	_ =	shalt  }
0x5e: {  	_ =	shalt  }
0x5f: {  	_ =	shalt  }
0x60: {  	_ =	shalt  }
0x61: {  	_ =	shalt  }
0x62: {  	_ =	shalt  }
0x63: {  	_ =	shalt  }
0x64: {  	_ =	shalt  }
0x65: {  	_ =	shalt  }
0x66: {  	_ =	shalt  }
0x67: {  	_ =	shalt  }
0x68: {  	_ =	shalt  }
0x69: {  	_ =	shalt  }
0x6a: {  	_ =	shalt  }
0x6b: {  	_ =	shalt  }
0x6c: {  	_ =	shalt  }
0x6d: {  	_ =	shalt  }
0x6e: {  	_ =	shalt  }
0x6f: {  	_ =	shalt  }
0x70: {  	_ =	shalt  }
0x71: {  	_ =	shalt  }
0x72: {  	_ =	shalt  }
0x73: {  	_ =	shalt  }
0x74: {  	_ =	shalt  }
0x75: {  	_ =	shalt  }
0x76: {  	_ =	shalt  }
0x77: {  	_ =	shalt  }
0x78: {  	_ =	shalt  }
0x79: {  	_ =	shalt  }
0x7a: {  	_ =	shalt  }
0x7b: {  	_ =	shalt  }
0x7c: {  	_ =	shalt  }
0x7d: {  	_ =	shalt  }
0x7e: {  	_ =	shalt  }
0x7f: {  	_ =	shalt  }
0x80: {  	_ =	shalt  }
0x81: {  	_ =	shalt  }
0x82: {  	_ =	shalt  }
0x83: {  	_ =	shalt  }
0x84: {  	_ =	shalt  }
0x85: {  	_ =	shalt  }
0x86: {  	_ =	shalt  }
0x87: {  	_ =	shalt  }
.Lfunc_end0:
.L_simem_size_0:
called_computation_lowered:
.L_overlay_start_0:
0x88: {  	s2 =	sld [smem:$0x3FD9]  }
0x89: {  	s3 =	sld [smem:$0x3FFE];
	_ =	sdelay $0x1  }
0x8a: {  	s1 =	srdreg.scid  }
0x8b: {  	s0 =	sand.u32 $0x1, s1  }
0x8c: {  	s16 =	sshll.u32 s0, $0xA;
	s2 =	sadd.s32 s3, s2  }
0x8d: {  	s2 =	sadd.s32 s2, s16  }
0x8e: {  	[smem:$0x3FB5] =	sst s2  }
0x8f: {  	_ = 	snop  }
0x90: {  	(tm) =	ssettm $0x1  }
0x91: {  	s17 =	sld [smem:$0x3FFB];
	_ =	sdelay $0x3  }
0x92: {  	_ =	strace s17  }
0x93: {  	s2 =	sld [smem:$0x3FFC];
	_ =	sdelay $0x3  }
0x94: {  	_ =	strace s2  }
0x95: {  	s2 =	sld [smem:$0x3FFD];
	_ =	sdelay $0x3  }
0x96: {  	_ =	strace s2  }
0x97: {  	_ =	strace $0x8FFFFFFF  }
0x98: {  	s18 =	sld [smem:$0x3FDB];
	_ =	sdelay $0x1  }
0x99: {  	s19 =	simm.s32 $_scs_section_size  }
0x9a: {  	s4 =	simm.s32 $_size__tile_overlayer_lowered;
	s5 =	simm.s32 $_tile_overlayer_lowered  }
0x9b: {  	s22 =	simm.s32 $0x1BFF;
	s21 =	sshll.u32 s5, $0x1;
	s2 =	sadd.s32 s19, s18  }
0x9c: {  	s6 =	simm.s32 $0x0;
	s20 =	sshll.u32 s4, $0x1;
	s4 =	sadd.s32 s21, s2  }
0x9d: {  	[timem:s6], [sflag:s22] =	dma.local [hbm:s4], s20  }
0x9e: {  	_ =	swait.ge [sflag:s22], s20  }
0x9f: {  	s3 =	ssub.s32 $0x0, s20;
	[sflag:s22] =	ssyncset.done $0x0  }
0xa0: {  	[sflag:s22] =	ssyncadd.s32 s3;
	_ =	sdelay $0x1  }
0xa1: {  	s23 =	simm.s32 $0x1B8B  }
0xa2: {  	_ =	swait.ge [sflag:s23], $0x1  }
0xa3: {  	[sflag:s23] =	ssyncset.done $0x0  }
0xa4: {  	s25 =	simm.s32 $0x1B8E;
	s24 =	sld [smem:$0x3FFE];
	[sflag:s23] =	ssyncadd.s32 $0xFFFFFFFF  }
0xa5: {  	s26 =	simm.s32 $execute0_lowered;
	[smem:$0x3FD2] =	sst s25  }
0xa6: {  	s4 =	sshll.u32 s26, $0x1;
	_ =	strace $0x80000046;
	[dreg:$0x1] =	wrdreg $0xFFFFFFFF  }
0xa7: {  	s28 =	simm.s32 $_size_execute0_lowered;
	s2 =	sadd.s32 s2, s4;
	[dreg:$0x0] =	wrdreg $0x0  }
0xa8: {  	s4 =	sshll.u32 s28, $0x1;
	[dreg:$0x2] =	wrdreg s2  }
0xa9: {  	[dreg:$0x3] =	wrdreg s4  }
0xaa: {  	[dreg:$0x4] =	wrdreg $0xC0  }
0xab: {  	_ =	task [dreg:s6], $0x5FFFF  }
0xac: {  	[dreg:$0x1] =	wrdreg $0xFFFFFFFF  }
0xad: {  	[dreg:$0x0] =	wrdreg $0x60  }
0xae: {  	[dreg:$0x2] =	wrdreg s24  }
0xaf: {  	[dreg:$0x3] =	wrdreg $0x9  }
0xb0: {  	_ =	task.clear_ibuf [dreg:s6], $0x4FFFF;
	_ =	strace $0x90000046  }
0xb1: {  	s29 =	simm.s32 $0x9;
	_ =	strace $0x80000048  }
0xb2: {  	_ =	swait.ge [sflag:s29], $0x1  }
0xb3: {  	[sflag:s29] =	ssyncadd.s32 $0xFFFFFFFF  }
0xb4: {  	_ =	strace $0x90000048  }
0xb5: {  	_ =	sfence  }
0xb6: {  	s30 =	sld [smem:$0x0];
	_ =	sdelay $0x2  }
0xb7: {  	s31 =	sshll.u32 s1, $0xD;
	s1 =	sshrl.u32 s1, $0x2  }
0xb8: {  	s3 =	sand.u32 $0x4000, s31;
	s1 =	sadd.s32 s1, s30  }
0xb9: {  	s0 =	sor.u32 s3, s0;
	s1 =	sshll.u32 s1, $0x11  }
0xba: {  	s0 =	sor.u32 s1, s0  }
0xbb: {  	s0 =	sadd.s32 $0x8F2B, s0  }
0xbc: {  	[sflag:s0] =	ssyncadd.remote.s32 $0x1  }
0xbd: {  	_ =	sfence.sel $0xFFFF  }
0xbe: {  	[dreg:$0x0] =	wrdreg $0xFFFFFFFF;
	(pc) =	sbr.abs _section_cstart, $3  }
0xbf: {  	[dreg:$0x1] =	wrdreg $0xFFFFFFFF  }
0xc0: {  	_ =	task.clear_ibuf [dreg:s6], $0x2FFFF;
	_ =	strace $0x9FFFFFFF  }
0xc1: {  	(tm) =	ssettm $0x7FFFFFFF  }
tec
execute0_lowered:
.L_overlay_start_1:
0x0: {  	(tag) =	ssettag $0x1  }
0x1: {  	s4 =	rddreg [dreg:$0x0]  }
0x2: {  	s0 =	rddreg [dreg:$0x1]  }
0x3: {  	s2 =	simm.s32 $0x0;
	s1 =	stileid.u32;
	s3 =	srdreg.scid  }
0x4: {  	[smem:$0x7FF] =	sst s2;
	s5 =	smul.u32 $0x280, s1  }
0x5: {  	s6 =	smul.u32 $0xC800, s1;
	s7 =	sand.u32 $0x1, s3;
	s3 =	sadd.s32 $0xE8EA00, s4  }
0x6: {  	_ =	strace $0x80000047;
	s8 =	ssub.s32 $0x2, s7;
	s9 =	smul.u32 $0x6400, s7  }
0x7: {  	s7 =	smul.u32 $0x140, s7;
	s6 =	sadd.s32 s6, s4;
	s10 =	sshrl.u32 s8, $0x1  }
0x8: {  	s11 =	sadd.s32 s5, s4;
	s29 =	ssub.s32 s8, s10;
	s30 =	sadd.s32 s9, s6  }
0x9: {  	s31 =	sadd.s32 s7, s11;
	s7 =	simm.s32 $0x2;
	s8 =	simm.s32 $0x50  }
0xa: {  	s9 =	simm.s32 $0x80;
	s10 =	simm.s32 $0x1;
	s11 =	simm.s32 $0x0  }
0xb: {  	s4 =	smax.u32 s29, $0x1;
	s5 =	sadd.s32 $0x5000, s30;
	s6 =	sadd.s32 $0x2800, s31  }
.LBB2_1:
0xc: {  	s12 =	sadd.s32 $0x0, s6  }
0xd: {  	[tilespmem:s2], [sflag:$0x2] =	stream.linear.gather [hbm4b:s12+s2], $0x80, $0x38;
	[tilespmem:$0x2880] =	vst v63  }
0xe: {  	_ =	swait.ge [sflag:s7], $0x80  }
0xf: {  	[sflag:s7] =	ssyncset.done $0x0  }
0x10: {  	[sflag:s7] =	ssyncadd.s32 $0xFFFFFF80  }
0x11: {  	[tilespmem:s9], [sflag:$0x1] =	stream.indirect.gather [hbm4b:s3+s8], $0x80, s2, s8, $0xb8;
	[tilespmem:$0x2880] =	vst v63  }
0x12: {  	_ =	swait.ge [sflag:s10], $0x2800  }
0x13: {  	[sflag:s10] =	ssyncset.done $0x0  }
0x14: {  	[sflag:s10] =	ssyncadd.s32 $0xFFFFD800  }
0x15: {  	[hbm4b:s5+s2] =	stream.linear.scatter [tilespmem:s9], [sflag:$0x2], $0x2800, $0x38;
	[tilespmem:$0x2880] =	vst v63  }
0x16: {  	s13 =	simm.s32 $0x10;
	_ =	swait.ge [sflag:s7], $0x2800  }
0x17: {  	s14 =	simm.s32 $0x20;
	s12 =	sadd.s32 $0x500, s5;
	[sflag:s7] =	ssyncset.done $0x0  }
.LBB2_2:
0x18: {  	s15 =	sadd.s32 s13, s6  }
0x19: {  	[sflag:s7] =	ssyncadd.s32 $0xFFFFD800;
	s13 =	smov.u32 s14;
	s16 =	sadd.s32 $0x10, s14  }
0x1a: {  	[tilespmem:s2], [sflag:$0x2] =	stream.linear.gather [hbm4b:s15+s2], $0x80, $0x38;
	[tilespmem:$0x2880] =	vst v63  }
0x1b: {  	p0 =	sne.s32 s14, $0x130;
	_ =	swait.ge [sflag:s7], $0x80  }
0x1c: {  	[sflag:s7] =	ssyncset.done $0x0  }
0x1d: {  	[sflag:s7] =	ssyncadd.s32 $0xFFFFFF80  }
0x1e: {  	[tilespmem:s9], [sflag:$0x1] =	stream.indirect.gather [hbm4b:s3+s8], $0x80, s2, s8, $0xb8;
	[tilespmem:$0x2880] =	vst v63  }
0x1f: {  	_ =	swait.ge [sflag:s10], $0x2800  }
.Ltmp0:
0x20: {  	[sflag:s10] =	ssyncset.done $0x0;
	(pc) =	sbr.rel @p0 .LBB2_2-.Ltmp0, $4  }
0x21: {  	[sflag:s10] =	ssyncadd.s32 $0xFFFFD800  }
0x22: {  	[hbm4b:s12+s2] =	stream.linear.scatter [tilespmem:s9], [sflag:$0x2], $0x2800, $0x38;
	[tilespmem:$0x2880] =	vst v63  }
0x23: {  	_ =	swait.ge [sflag:s7], $0x2800  }
0x24: {  	s14 =	smov.u32 s16;
	s12 =	sadd.s32 $0x500, s12;
	[sflag:s7] =	ssyncset.done $0x0  }
0x25: {  	s13 =	sadd.s32 s13, s6;
	[sflag:s7] =	ssyncadd.s32 $0xFFFFD800  }
0x26: {  	[tilespmem:s2], [sflag:$0x2] =	stream.linear.gather [hbm4b:s13+s2], $0x80, $0x38;
	[tilespmem:$0x2880] =	vst v63  }
0x27: {  	_ =	swait.ge [sflag:s7], $0x80  }
0x28: {  	[sflag:s7] =	ssyncset.done $0x0  }
0x29: {  	[sflag:s7] =	ssyncadd.s32 $0xFFFFFF80  }
0x2a: {  	[tilespmem:s9], [sflag:$0x1] =	stream.indirect.gather [hbm4b:s3+s8], $0x80, s2, s8, $0xb8;
	[tilespmem:$0x2880] =	vst v63  }
0x2b: {  	s11 =	sadd.s32 $0x1, s11;
	_ =	swait.ge [sflag:s10], $0x2800  }
0x2c: {  	p0 =	sne.s32 s11, s4;
	[sflag:s10] =	ssyncset.done $0x0  }
.Ltmp1:
0x2d: {  	[sflag:s10] =	ssyncadd.s32 $0xFFFFD800;
	(pc) =	sbr.rel @p0 .LBB2_1-.Ltmp1, $4  }
0x2e: {  	[hbm4b:s12+s2] =	stream.linear.scatter [tilespmem:s9], [sflag:$0x2], $0x2800, $0x38;
	[tilespmem:$0x2880] =	vst v63  }
0x2f: {  	_ =	swait.ge [sflag:s7], $0x2800  }
0x30: {  	[sflag:s7] =	ssyncset.done $0x0  }
0x31: {  	[sflag:s7] =	ssyncadd.s32 $0xFFFFD800  }
0x32: {  	_ =	sfence.sel $0x180000  }
0x33: {  	[bflag:$0x0] =	sbarrier.arrive $0xFFFF  }
0x34: {  	p0 =	sne.s32 s1, $0x0;
	_ =	strace $0x90000047  }
0x35: {  	s0 =	sadd.s32 @!p0 $0x100000, s0;
	[bflag:$0x2] =	sbarrier.arrive $0xFFFF  }
0x36: {  	[sflag:s0] =	ssyncadd.tile.s32 @!p0 $0x1;
	_ =	shalt  }
.Lfunc_end2:
_tile_overlayer_lowered:
.L_overlay_start_2:
0x37: {  	(tag) =	ssettag $0x2  }
0x38: {  	s0 =	rddreg [dreg:$0x0];
	s2 =	stileid.u32  }
0x39: {  	s1 =	rddreg [dreg:$0x1];
	p0 =	sne.s32 s2, $0x0  }
0x3a: {  	s3 =	rddreg [dreg:$0x2];
	[bflag:$0x3] =	sbarrier.arrive $0xFFFF;
	s2 =	simm.s32 @!p0 $0x1C02  }
0x3b: {  	[timem:s3], [sflag:s2] =	dma.local @!p0 [hbm:s0], s1  }
0x3c: {  	s0 =	simm.s32 @!p0 $0x2  }
0x3d: {  	_ =	swait.ge @!p0 [sflag:s0], s1  }
0x3e: {  	s1 =	ssub.s32 @!p0 $0x0, s1;
	[sflag:s0] =	ssyncset.done @!p0 $0x0  }
0x3f: {  	[sflag:s0] =	ssyncadd.s32 @!p0 s1  }
0x40: {  	[bflag:$0x3] =	sbarrier.arrive $0xFFFF  }
0x41: {  	_ =	shalt  }

</sc_bundles>
